<compile_context>
chip_gen: v7x
topology: tpu7x:2x2x1
jax: 0.10.2.dev20260603
libtpu: 0.0.44.dev20260713+nightly
codegen_flags: <defaults>
</compile_context>

<pallas_src>
import functools

import jax
import jax.numpy as jnp
from jax import lax
from jax.experimental import pallas as pl
from jax.experimental.pallas import tpu as pltpu
from jax.experimental.pallas import tpu_sc as plsc

_LN2 = 0.6931471805599453


def kernel(x, neutral_idx, W):
    B = x.shape[0]
    V = W.shape[0]
    Wf = W.reshape(V)

    info = plsc.get_sparse_core_info()
    NS, L = info.num_subcores, info.num_lanes
    NC = 1
    NW = NC * NS
    b_per_w = B // NW
    CH = 128
    K = b_per_w // CH

    x_r = x.reshape(NW, K, CH)
    n_idx = jnp.full((L,), neutral_idx, dtype=jnp.int32)
    mesh = plsc.VectorSubcoreMesh(core_axis_name="c", subcore_axis_name="s",
                                  num_cores=NC)

    @functools.partial(
        pl.kernel,
        mesh=mesh,
        out_type=jax.ShapeDtypeStruct((NW, K, CH), jnp.float32),
        scratch_types=[
            pltpu.VMEM((K, CH), jnp.int32),
            pltpu.VMEM((K, CH), jnp.float32),
            pltpu.VMEM((L,), jnp.int32),
            pltpu.VMEM((L,), jnp.float32),
            pltpu.VMEM((K, CH), jnp.float32),
            pltpu.SemaphoreType.DMA,
            pltpu.SemaphoreType.DMA((K,)),
            pltpu.SemaphoreType.DMA,
        ],
    )
    def run(table_hbm, nidx_hbm, xr_hbm, out_hbm,
            idx_v, vals_v, nidx_v, nval_v, out_v, ssem, gsem, nsem):
        wid = lax.axis_index("s") * NC + lax.axis_index("c")
        stage = pltpu.async_copy(xr_hbm.at[wid], idx_v, ssem)
        pltpu.sync_copy(nidx_hbm, nidx_v)
        nc = pltpu.async_copy(table_hbm.at[nidx_v], nval_v, nsem)
        stage.wait()
        gathers = [
            pltpu.async_copy(table_hbm.at[idx_v.at[j]], vals_v.at[j],
                             gsem.at[j])
            for j in range(K)
        ]
        nc.wait()
        nvec = nval_v[...]
        for j in range(K):
            gathers[j].wait()
            for i in range(CH // L):
                v = vals_v[j, pl.ds(i * L, L)]
                out_v[j, pl.ds(i * L, L)] = jnp.exp((v - nvec) * _LN2)
        pltpu.sync_copy(out_v, out_hbm.at[wid])

    out = run(Wf, n_idx, x_r)
    return out.reshape(B, 1)

# --- scband reference (transcript-rebuilt; emitter-appended) ---
"""Pipeline reference for scband-gain-table-24575802868510 (READ-ONLY COPY).

The authoritative reference and input builder live on the scoring server;
editing this copy changes nothing except your own understanding.
"""

import jax, jax.numpy as jnp
import numpy as np

NUM_IMAGES = 1000000
BATCH = 16384

def setup_inputs(seed: int = 0) -> dict:
    key = jax.random.key(seed)
    k1, _ = jax.random.split(key)
    x = jax.random.randint(k1, (BATCH,), 0, NUM_IMAGES, dtype=jnp.int64 if jax.config.jax_enable_x64 else jnp.int32).astype(jnp.int32)
    # Learned parameter: embedding table [num_images, 1], initialized to 0.0 per module __init__
    W = jnp.zeros((NUM_IMAGES, 1), dtype=jnp.float32)
    neutral_idx = 0
    return {"x": x, "neutral_idx": neutral_idx, "W": W}

def reference(x, neutral_idx, W):
    # neutral_gain = table(neutral_idx): gather single row -> shape [1]
    neutral_gain = jnp.take(W, jnp.asarray(neutral_idx, dtype=jnp.int32), axis=0)
    # table(x): gather rows -> [B, 1]
    table_result = jnp.take(W, x, axis=0) - neutral_gain
    return jnp.power(jnp.float32(2.0), table_result).astype(jnp.float32)

if __name__ == "__main__":
    import jax
    _d = setup_inputs()
    print(jax.jit(kernel)(*tuple(_d.values())))

</pallas_src>

<mosaic_0001>
#map = affine_map<(d0, d1) -> (0)>
#map1 = affine_map<(d0, d1) -> (0, 0, 0)>
module attributes {stable_mosaic.version = 14 : i64} {
  func.func @run(%arg0: i32, %arg1: i32, %arg2: memref<1000000xf32, #tpu.memory_space<hbm>>, %arg3: memref<16xi32, #tpu.memory_space<hbm>>, %arg4: memref<16x8x128xi32, #tpu.memory_space<hbm>>, %arg5: memref<16x8x128xf32, #tpu.memory_space<hbm>>, %arg6: memref<8x128xi32, #tpu.memory_space<vmem>>, %arg7: memref<8x128xf32, #tpu.memory_space<vmem>>, %arg8: memref<16xi32, #tpu.memory_space<vmem>>, %arg9: memref<16xf32, #tpu.memory_space<vmem>>, %arg10: memref<8x128xf32, #tpu.memory_space<vmem>>, %arg11: memref<!tpu.dma_semaphore, #tpu.memory_space<semaphore_mem>>, %arg12: memref<8x!tpu.dma_semaphore, #tpu.memory_space<semaphore_mem>>, %arg13: memref<!tpu.dma_semaphore, #tpu.memory_space<semaphore_mem>>) attributes {dimension_semantics = [#tpu.dimension_semantics<core_parallel>, #tpu.dimension_semantics<subcore_parallel>], iteration_bounds = array<i64: 1, 16>, scalar_prefetch = 0 : i64, scratch_operands = 8 : i64, tpu.core_type = #tpu.core_type<sc_vector_subcore>, window_params = [{transform_indices = #map}, {transform_indices = #map}, {transform_indices = #map1}, {transform_indices = #map1}]} {
    %mul3A = arith.constant 1 : i32
    %mul3A_0 = arith.muli %arg1, %mul3A : i32
    %add3A = arith.addi %mul3A_0, %arg0 : i32
    %dma_start3A = arith.constant 0 : i32
    %dma_start3A_1 = arith.constant 0 : i32
    %dma_start3A_2 = tpu.memref_slice %arg4[%add3A, %dma_start3A, %dma_start3A_1] : memref<16x8x128xi32, #tpu.memory_space<hbm>> -> memref<1x8x128xi32, #tpu.memory_space<hbm>>
    %dma_start3A_3 = tpu.memref_squeeze %dma_start3A_2 : memref<1x8x128xi32, #tpu.memory_space<hbm>> -> memref<8x128xi32, #tpu.memory_space<hbm>>
    %dma_start3A_4 = arith.constant 0 : i32
    %dma_start3A_5 = arith.constant 0 : i32
    %dma_start3A_6 = tpu.memref_slice %arg4[%add3A, %dma_start3A_4, %dma_start3A_5] : memref<16x8x128xi32, #tpu.memory_space<hbm>> -> memref<1x8x128xi32, #tpu.memory_space<hbm>>
    %dma_start3A_7 = tpu.memref_squeeze %dma_start3A_6 : memref<1x8x128xi32, #tpu.memory_space<hbm>> -> memref<8x128xi32, #tpu.memory_space<hbm>>
    tpu.enqueue_dma source(%dma_start3A_7 : memref<8x128xi32, #tpu.memory_space<hbm>>) target(%arg6 : memref<8x128xi32, #tpu.memory_space<vmem>>) target_semaphore(%arg11 : memref<!tpu.dma_semaphore, #tpu.memory_space<semaphore_mem>>)
    "tpu.region"() ({
      %run_scoped3A = tpu.sem_alloc : memref<!tpu.dma_semaphore, #tpu.memory_space<semaphore_mem>>
      tpu.enqueue_dma source(%arg3 : memref<16xi32, #tpu.memory_space<hbm>>) target(%arg8 : memref<16xi32, #tpu.memory_space<vmem>>) target_semaphore(%run_scoped3A : memref<!tpu.dma_semaphore, #tpu.memory_space<semaphore_mem>>)
      tpu.wait_dma2 semaphore(%run_scoped3A : memref<!tpu.dma_semaphore, #tpu.memory_space<semaphore_mem>>) src(%arg3 : memref<16xi32, #tpu.memory_space<hbm>>) dst(%arg8 : memref<16xi32, #tpu.memory_space<vmem>>)
      tpu.yield
    }) : () -> ()
    %dma_start3A_8 = arith.constant 0 : i32
    %dma_start3A_9 = tpu.memref_slice %arg2[%dma_start3A_8] : memref<1000000xf32, #tpu.memory_space<hbm>> -> memref<1000000xf32, #tpu.memory_space<hbm>>
    tpu.enqueue_indirect_dma source(%dma_start3A_9 : memref<1000000xf32, #tpu.memory_space<hbm>>) target(%arg9 : memref<16xf32, #tpu.memory_space<vmem>>) offsets(%arg8 : memref<16xi32, #tpu.memory_space<vmem>>) semaphore(%arg13 : memref<!tpu.dma_semaphore, #tpu.memory_space<semaphore_mem>>)
    %dma_wait3A = arith.constant 0 : i32
    %dma_wait3A_10 = arith.constant 0 : i32
    %dma_wait3A_11 = tpu.memref_slice %arg4[%add3A, %dma_wait3A, %dma_wait3A_10] : memref<16x8x128xi32, #tpu.memory_space<hbm>> -> memref<1x8x128xi32, #tpu.memory_space<hbm>>
    %dma_wait3A_12 = tpu.memref_squeeze %dma_wait3A_11 : memref<1x8x128xi32, #tpu.memory_space<hbm>> -> memref<8x128xi32, #tpu.memory_space<hbm>>
    %dma_wait3A_13 = arith.constant 0 : i32
    %dma_wait3A_14 = arith.constant 0 : i32
    %dma_wait3A_15 = tpu.memref_slice %arg4[%add3A, %dma_wait3A_13, %dma_wait3A_14] : memref<16x8x128xi32, #tpu.memory_space<hbm>> -> memref<1x8x128xi32, #tpu.memory_space<hbm>>
    %dma_wait3A_16 = tpu.memref_squeeze %dma_wait3A_15 : memref<1x8x128xi32, #tpu.memory_space<hbm>> -> memref<8x128xi32, #tpu.memory_space<hbm>>
    tpu.wait_dma2 semaphore(%arg11 : memref<!tpu.dma_semaphore, #tpu.memory_space<semaphore_mem>>) src(%dma_wait3A_16 : memref<8x128xi32, #tpu.memory_space<hbm>>) dst(%arg6 : memref<8x128xi32, #tpu.memory_space<vmem>>)
    %dma_start3A_17 = arith.constant 0 : i32
    %dma_start3A_18 = arith.constant 0 : i32
    %dma_start3A_19 = arith.constant 0 : i32
    %dma_start3A_20 = arith.constant 0 : i32
    %dma_start3A_21 = tpu.memref_slice %arg7[%dma_start3A_18, %dma_start3A_20] : memref<8x128xf32, #tpu.memory_space<vmem>> -> memref<1x128xf32, #tpu.memory_space<vmem>>
    %dma_start3A_22 = tpu.memref_squeeze %dma_start3A_21 : memref<1x128xf32, #tpu.memory_space<vmem>> -> memref<128xf32, #tpu.memory_space<vmem>>
    %dma_start3A_23 = arith.constant 0 : i32
    %dma_start3A_24 = tpu.memref_slice %arg6[%dma_start3A_17, %dma_start3A_23] : memref<8x128xi32, #tpu.memory_space<vmem>> -> memref<1x128xi32, #tpu.memory_space<vmem>>
    %dma_start3A_25 = tpu.memref_squeeze %dma_start3A_24 : memref<1x128xi32, #tpu.memory_space<vmem>> -> memref<128xi32, #tpu.memory_space<vmem>>
    %dma_start3A_26 = arith.constant 0 : i32
    %dma_start3A_27 = tpu.memref_slice %arg2[%dma_start3A_26] : memref<1000000xf32, #tpu.memory_space<hbm>> -> memref<1000000xf32, #tpu.memory_space<hbm>>
    %dma_start3A_28 = tpu.memref_slice %arg12[%dma_start3A_19] : memref<8x!tpu.dma_semaphore, #tpu.memory_space<semaphore_mem>> -> memref<1x!tpu.dma_semaphore, #tpu.memory_space<semaphore_mem>>
    %dma_start3A_29 = tpu.memref_squeeze %dma_start3A_28 : memref<1x!tpu.dma_semaphore, #tpu.memory_space<semaphore_mem>> -> memref<!tpu.dma_semaphore, #tpu.memory_space<semaphore_mem>>
    tpu.enqueue_indirect_dma source(%dma_start3A_27 : memref<1000000xf32, #tpu.memory_space<hbm>>) target(%dma_start3A_22 : memref<128xf32, #tpu.memory_space<vmem>>) offsets(%dma_start3A_25 : memref<128xi32, #tpu.memory_space<vmem>>) semaphore(%dma_start3A_29 : memref<!tpu.dma_semaphore, #tpu.memory_space<semaphore_mem>>)
    %dma_start3A_30 = arith.constant 1 : i32
    %dma_start3A_31 = arith.constant 1 : i32
    %dma_start3A_32 = arith.constant 1 : i32
    %dma_start3A_33 = arith.constant 0 : i32
    %dma_start3A_34 = tpu.memref_slice %arg7[%dma_start3A_31, %dma_start3A_33] : memref<8x128xf32, #tpu.memory_space<vmem>> -> memref<1x128xf32, #tpu.memory_space<vmem>>
    %dma_start3A_35 = tpu.memref_squeeze %dma_start3A_34 : memref<1x128xf32, #tpu.memory_space<vmem>> -> memref<128xf32, #tpu.memory_space<vmem>>
    %dma_start3A_36 = arith.constant 0 : i32
    %dma_start3A_37 = tpu.memref_slice %arg6[%dma_start3A_30, %dma_start3A_36] : memref<8x128xi32, #tpu.memory_space<vmem>> -> memref<1x128xi32, #tpu.memory_space<vmem>>
    %dma_start3A_38 = tpu.memref_squeeze %dma_start3A_37 : memref<1x128xi32, #tpu.memory_space<vmem>> -> memref<128xi32, #tpu.memory_space<vmem>>
    %dma_start3A_39 = arith.constant 0 : i32
    %dma_start3A_40 = tpu.memref_slice %arg2[%dma_start3A_39] : memref<1000000xf32, #tpu.memory_space<hbm>> -> memref<1000000xf32, #tpu.memory_space<hbm>>
    %dma_start3A_41 = tpu.memref_slice %arg12[%dma_start3A_32] : memref<8x!tpu.dma_semaphore, #tpu.memory_space<semaphore_mem>> -> memref<1x!tpu.dma_semaphore, #tpu.memory_space<semaphore_mem>>
    %dma_start3A_42 = tpu.memref_squeeze %dma_start3A_41 : memref<1x!tpu.dma_semaphore, #tpu.memory_space<semaphore_mem>> -> memref<!tpu.dma_semaphore, #tpu.memory_space<semaphore_mem>>
    tpu.enqueue_indirect_dma source(%dma_start3A_40 : memref<1000000xf32, #tpu.memory_space<hbm>>) target(%dma_start3A_35 : memref<128xf32, #tpu.memory_space<vmem>>) offsets(%dma_start3A_38 : memref<128xi32, #tpu.memory_space<vmem>>) semaphore(%dma_start3A_42 : memref<!tpu.dma_semaphore, #tpu.memory_space<semaphore_mem>>)
    %dma_start3A_43 = arith.constant 2 : i32
    %dma_start3A_44 = arith.constant 2 : i32
    %dma_start3A_45 = arith.constant 2 : i32
    %dma_start3A_46 = arith.constant 0 : i32
    %dma_start3A_47 = tpu.memref_slice %arg7[%dma_start3A_44, %dma_start3A_46] : memref<8x128xf32, #tpu.memory_space<vmem>> -> memref<1x128xf32, #tpu.memory_space<vmem>>
    %dma_start3A_48 = tpu.memref_squeeze %dma_start3A_47 : memref<1x128xf32, #tpu.memory_space<vmem>> -> memref<128xf32, #tpu.memory_space<vmem>>
    %dma_start3A_49 = arith.constant 0 : i32
    %dma_start3A_50 = tpu.memref_slice %arg6[%dma_start3A_43, %dma_start3A_49] : memref<8x128xi32, #tpu.memory_space<vmem>> -> memref<1x128xi32, #tpu.memory_space<vmem>>
    %dma_start3A_51 = tpu.memref_squeeze %dma_start3A_50 : memref<1x128xi32, #tpu.memory_space<vmem>> -> memref<128xi32, #tpu.memory_space<vmem>>
    %dma_start3A_52 = arith.constant 0 : i32
    %dma_start3A_53 = tpu.memref_slice %arg2[%dma_start3A_52] : memref<1000000xf32, #tpu.memory_space<hbm>> -> memref<1000000xf32, #tpu.memory_space<hbm>>
    %dma_start3A_54 = tpu.memref_slice %arg12[%dma_start3A_45] : memref<8x!tpu.dma_semaphore, #tpu.memory_space<semaphore_mem>> -> memref<1x!tpu.dma_semaphore, #tpu.memory_space<semaphore_mem>>
    %dma_start3A_55 = tpu.memref_squeeze %dma_start3A_54 : memref<1x!tpu.dma_semaphore, #tpu.memory_space<semaphore_mem>> -> memref<!tpu.dma_semaphore, #tpu.memory_space<semaphore_mem>>
    tpu.enqueue_indirect_dma source(%dma_start3A_53 : memref<1000000xf32, #tpu.memory_space<hbm>>) target(%dma_start3A_48 : memref<128xf32, #tpu.memory_space<vmem>>) offsets(%dma_start3A_51 : memref<128xi32, #tpu.memory_space<vmem>>) semaphore(%dma_start3A_55 : memref<!tpu.dma_semaphore, #tpu.memory_space<semaphore_mem>>)
    %dma_start3A_56 = arith.constant 3 : i32
    %dma_start3A_57 = arith.constant 3 : i32
    %dma_start3A_58 = arith.constant 3 : i32
    %dma_start3A_59 = arith.constant 0 : i32
    %dma_start3A_60 = tpu.memref_slice %arg7[%dma_start3A_57, %dma_start3A_59] : memref<8x128xf32, #tpu.memory_space<vmem>> -> memref<1x128xf32, #tpu.memory_space<vmem>>
    %dma_start3A_61 = tpu.memref_squeeze %dma_start3A_60 : memref<1x128xf32, #tpu.memory_space<vmem>> -> memref<128xf32, #tpu.memory_space<vmem>>
    %dma_start3A_62 = arith.constant 0 : i32
    %dma_start3A_63 = tpu.memref_slice %arg6[%dma_start3A_56, %dma_start3A_62] : memref<8x128xi32, #tpu.memory_space<vmem>> -> memref<1x128xi32, #tpu.memory_space<vmem>>
    %dma_start3A_64 = tpu.memref_squeeze %dma_start3A_63 : memref<1x128xi32, #tpu.memory_space<vmem>> -> memref<128xi32, #tpu.memory_space<vmem>>
    %dma_start3A_65 = arith.constant 0 : i32
    %dma_start3A_66 = tpu.memref_slice %arg2[%dma_start3A_65] : memref<1000000xf32, #tpu.memory_space<hbm>> -> memref<1000000xf32, #tpu.memory_space<hbm>>
    %dma_start3A_67 = tpu.memref_slice %arg12[%dma_start3A_58] : memref<8x!tpu.dma_semaphore, #tpu.memory_space<semaphore_mem>> -> memref<1x!tpu.dma_semaphore, #tpu.memory_space<semaphore_mem>>
    %dma_start3A_68 = tpu.memref_squeeze %dma_start3A_67 : memref<1x!tpu.dma_semaphore, #tpu.memory_space<semaphore_mem>> -> memref<!tpu.dma_semaphore, #tpu.memory_space<semaphore_mem>>
    tpu.enqueue_indirect_dma source(%dma_start3A_66 : memref<1000000xf32, #tpu.memory_space<hbm>>) target(%dma_start3A_61 : memref<128xf32, #tpu.memory_space<vmem>>) offsets(%dma_start3A_64 : memref<128xi32, #tpu.memory_space<vmem>>) semaphore(%dma_start3A_68 : memref<!tpu.dma_semaphore, #tpu.memory_space<semaphore_mem>>)
    %dma_start3A_69 = arith.constant 4 : i32
    %dma_start3A_70 = arith.constant 4 : i32
    %dma_start3A_71 = arith.constant 4 : i32
    %dma_start3A_72 = arith.constant 0 : i32
    %dma_start3A_73 = tpu.memref_slice %arg7[%dma_start3A_70, %dma_start3A_72] : memref<8x128xf32, #tpu.memory_space<vmem>> -> memref<1x128xf32, #tpu.memory_space<vmem>>
    %dma_start3A_74 = tpu.memref_squeeze %dma_start3A_73 : memref<1x128xf32, #tpu.memory_space<vmem>> -> memref<128xf32, #tpu.memory_space<vmem>>
    %dma_start3A_75 = arith.constant 0 : i32
    %dma_start3A_76 = tpu.memref_slice %arg6[%dma_start3A_69, %dma_start3A_75] : memref<8x128xi32, #tpu.memory_space<vmem>> -> memref<1x128xi32, #tpu.memory_space<vmem>>
    %dma_start3A_77 = tpu.memref_squeeze %dma_start3A_76 : memref<1x128xi32, #tpu.memory_space<vmem>> -> memref<128xi32, #tpu.memory_space<vmem>>
    %dma_start3A_78 = arith.constant 0 : i32
    %dma_start3A_79 = tpu.memref_slice %arg2[%dma_start3A_78] : memref<1000000xf32, #tpu.memory_space<hbm>> -> memref<1000000xf32, #tpu.memory_space<hbm>>
    %dma_start3A_80 = tpu.memref_slice %arg12[%dma_start3A_71] : memref<8x!tpu.dma_semaphore, #tpu.memory_space<semaphore_mem>> -> memref<1x!tpu.dma_semaphore, #tpu.memory_space<semaphore_mem>>
    %dma_start3A_81 = tpu.memref_squeeze %dma_start3A_80 : memref<1x!tpu.dma_semaphore, #tpu.memory_space<semaphore_mem>> -> memref<!tpu.dma_semaphore, #tpu.memory_space<semaphore_mem>>
    tpu.enqueue_indirect_dma source(%dma_start3A_79 : memref<1000000xf32, #tpu.memory_space<hbm>>) target(%dma_start3A_74 : memref<128xf32, #tpu.memory_space<vmem>>) offsets(%dma_start3A_77 : memref<128xi32, #tpu.memory_space<vmem>>) semaphore(%dma_start3A_81 : memref<!tpu.dma_semaphore, #tpu.memory_space<semaphore_mem>>)
    %dma_start3A_82 = arith.constant 5 : i32
    %dma_start3A_83 = arith.constant 5 : i32
    %dma_start3A_84 = arith.constant 5 : i32
    %dma_start3A_85 = arith.constant 0 : i32
    %dma_start3A_86 = tpu.memref_slice %arg7[%dma_start3A_83, %dma_start3A_85] : memref<8x128xf32, #tpu.memory_space<vmem>> -> memref<1x128xf32, #tpu.memory_space<vmem>>
    %dma_start3A_87 = tpu.memref_squeeze %dma_start3A_86 : memref<1x128xf32, #tpu.memory_space<vmem>> -> memref<128xf32, #tpu.memory_space<vmem>>
    %dma_start3A_88 = arith.constant 0 : i32
    %dma_start3A_89 = tpu.memref_slice %arg6[%dma_start3A_82, %dma_start3A_88] : memref<8x128xi32, #tpu.memory_space<vmem>> -> memref<1x128xi32, #tpu.memory_space<vmem>>
    %dma_start3A_90 = tpu.memref_squeeze %dma_start3A_89 : memref<1x128xi32, #tpu.memory_space<vmem>> -> memref<128xi32, #tpu.memory_space<vmem>>
    %dma_start3A_91 = arith.constant 0 : i32
    %dma_start3A_92 = tpu.memref_slice %arg2[%dma_start3A_91] : memref<1000000xf32, #tpu.memory_space<hbm>> -> memref<1000000xf32, #tpu.memory_space<hbm>>
    %dma_start3A_93 = tpu.memref_slice %arg12[%dma_start3A_84] : memref<8x!tpu.dma_semaphore, #tpu.memory_space<semaphore_mem>> -> memref<1x!tpu.dma_semaphore, #tpu.memory_space<semaphore_mem>>
    %dma_start3A_94 = tpu.memref_squeeze %dma_start3A_93 : memref<1x!tpu.dma_semaphore, #tpu.memory_space<semaphore_mem>> -> memref<!tpu.dma_semaphore, #tpu.memory_space<semaphore_mem>>
    tpu.enqueue_indirect_dma source(%dma_start3A_92 : memref<1000000xf32, #tpu.memory_space<hbm>>) target(%dma_start3A_87 : memref<128xf32, #tpu.memory_space<vmem>>) offsets(%dma_start3A_90 : memref<128xi32, #tpu.memory_space<vmem>>) semaphore(%dma_start3A_94 : memref<!tpu.dma_semaphore, #tpu.memory_space<semaphore_mem>>)
    %dma_start3A_95 = arith.constant 6 : i32
    %dma_start3A_96 = arith.constant 6 : i32
    %dma_start3A_97 = arith.constant 6 : i32
    %dma_start3A_98 = arith.constant 0 : i32
    %dma_start3A_99 = tpu.memref_slice %arg7[%dma_start3A_96, %dma_start3A_98] : memref<8x128xf32, #tpu.memory_space<vmem>> -> memref<1x128xf32, #tpu.memory_space<vmem>>
    %dma_start3A_100 = tpu.memref_squeeze %dma_start3A_99 : memref<1x128xf32, #tpu.memory_space<vmem>> -> memref<128xf32, #tpu.memory_space<vmem>>
    %dma_start3A_101 = arith.constant 0 : i32
    %dma_start3A_102 = tpu.memref_slice %arg6[%dma_start3A_95, %dma_start3A_101] : memref<8x128xi32, #tpu.memory_space<vmem>> -> memref<1x128xi32, #tpu.memory_space<vmem>>
    %dma_start3A_103 = tpu.memref_squeeze %dma_start3A_102 : memref<1x128xi32, #tpu.memory_space<vmem>> -> memref<128xi32, #tpu.memory_space<vmem>>
    %dma_start3A_104 = arith.constant 0 : i32
    %dma_start3A_105 = tpu.memref_slice %arg2[%dma_start3A_104] : memref<1000000xf32, #tpu.memory_space<hbm>> -> memref<1000000xf32, #tpu.memory_space<hbm>>
    %dma_start3A_106 = tpu.memref_slice %arg12[%dma_start3A_97] : memref<8x!tpu.dma_semaphore, #tpu.memory_space<semaphore_mem>> -> memref<1x!tpu.dma_semaphore, #tpu.memory_space<semaphore_mem>>
    %dma_start3A_107 = tpu.memref_squeeze %dma_start3A_106 : memref<1x!tpu.dma_semaphore, #tpu.memory_space<semaphore_mem>> -> memref<!tpu.dma_semaphore, #tpu.memory_space<semaphore_mem>>
    tpu.enqueue_indirect_dma source(%dma_start3A_105 : memref<1000000xf32, #tpu.memory_space<hbm>>) target(%dma_start3A_100 : memref<128xf32, #tpu.memory_space<vmem>>) offsets(%dma_start3A_103 : memref<128xi32, #tpu.memory_space<vmem>>) semaphore(%dma_start3A_107 : memref<!tpu.dma_semaphore, #tpu.memory_space<semaphore_mem>>)
    %dma_start3A_108 = arith.constant 7 : i32
    %dma_start3A_109 = arith.constant 7 : i32
    %dma_start3A_110 = arith.constant 7 : i32
    %dma_start3A_111 = arith.constant 0 : i32
    %dma_start3A_112 = tpu.memref_slice %arg7[%dma_start3A_109, %dma_start3A_111] : memref<8x128xf32, #tpu.memory_space<vmem>> -> memref<1x128xf32, #tpu.memory_space<vmem>>
    %dma_start3A_113 = tpu.memref_squeeze %dma_start3A_112 : memref<1x128xf32, #tpu.memory_space<vmem>> -> memref<128xf32, #tpu.memory_space<vmem>>
    %dma_start3A_114 = arith.constant 0 : i32
    %dma_start3A_115 = tpu.memref_slice %arg6[%dma_start3A_108, %dma_start3A_114] : memref<8x128xi32, #tpu.memory_space<vmem>> -> memref<1x128xi32, #tpu.memory_space<vmem>>
    %dma_start3A_116 = tpu.memref_squeeze %dma_start3A_115 : memref<1x128xi32, #tpu.memory_space<vmem>> -> memref<128xi32, #tpu.memory_space<vmem>>
    %dma_start3A_117 = arith.constant 0 : i32
    %dma_start3A_118 = tpu.memref_slice %arg2[%dma_start3A_117] : memref<1000000xf32, #tpu.memory_space<hbm>> -> memref<1000000xf32, #tpu.memory_space<hbm>>
    %dma_start3A_119 = tpu.memref_slice %arg12[%dma_start3A_110] : memref<8x!tpu.dma_semaphore, #tpu.memory_space<semaphore_mem>> -> memref<1x!tpu.dma_semaphore, #tpu.memory_space<semaphore_mem>>
    %dma_start3A_120 = tpu.memref_squeeze %dma_start3A_119 : memref<1x!tpu.dma_semaphore, #tpu.memory_space<semaphore_mem>> -> memref<!tpu.dma_semaphore, #tpu.memory_space<semaphore_mem>>
    tpu.enqueue_indirect_dma source(%dma_start3A_118 : memref<1000000xf32, #tpu.memory_space<hbm>>) target(%dma_start3A_113 : memref<128xf32, #tpu.memory_space<vmem>>) offsets(%dma_start3A_116 : memref<128xi32, #tpu.memory_space<vmem>>) semaphore(%dma_start3A_120 : memref<!tpu.dma_semaphore, #tpu.memory_space<semaphore_mem>>)
    %dma_wait3A_121 = arith.constant 0 : i32
    %dma_wait3A_122 = tpu.memref_slice %arg2[%dma_wait3A_121] : memref<1000000xf32, #tpu.memory_space<hbm>> -> memref<1000000xf32, #tpu.memory_space<hbm>>
    tpu.wait_indirect_dma semaphore(%arg13 : memref<!tpu.dma_semaphore, #tpu.memory_space<semaphore_mem>>) src(%dma_wait3A_122 : memref<1000000xf32, #tpu.memory_space<hbm>>) dst(%arg9 : memref<16xf32, #tpu.memory_space<vmem>>)
    %get3A = arith.constant 0 : index
    %get3A_123 = tpu.vector_load %arg9[%get3A] {strides = array<i32>} : memref<16xf32, #tpu.memory_space<vmem>>, vector<16xf32>,
    %get3A_124 = vector.shape_cast %get3A_123 : vector<16xf32> to vector<16xf32>
    %dma_wait3A_125 = arith.constant 0 : i32
    %dma_wait3A_126 = arith.constant 0 : i32
    %dma_wait3A_127 = arith.constant 0 : i32
    %dma_wait3A_128 = arith.constant 0 : i32
    %dma_wait3A_129 = tpu.memref_slice %arg7[%dma_wait3A_126, %dma_wait3A_128] : memref<8x128xf32, #tpu.memory_space<vmem>> -> memref<1x128xf32, #tpu.memory_space<vmem>>
    %dma_wait3A_130 = tpu.memref_squeeze %dma_wait3A_129 : memref<1x128xf32, #tpu.memory_space<vmem>> -> memref<128xf32, #tpu.memory_space<vmem>>
    %dma_wait3A_131 = arith.constant 0 : i32
    %dma_wait3A_132 = tpu.memref_slice %arg6[%dma_wait3A_125, %dma_wait3A_131] : memref<8x128xi32, #tpu.memory_space<vmem>> -> memref<1x128xi32, #tpu.memory_space<vmem>>
    %dma_wait3A_133 = tpu.memref_squeeze %dma_wait3A_132 : memref<1x128xi32, #tpu.memory_space<vmem>> -> memref<128xi32, #tpu.memory_space<vmem>>
    %dma_wait3A_134 = arith.constant 0 : i32
    %dma_wait3A_135 = tpu.memref_slice %arg2[%dma_wait3A_134] : memref<1000000xf32, #tpu.memory_space<hbm>> -> memref<1000000xf32, #tpu.memory_space<hbm>>
    %dma_wait3A_136 = tpu.memref_slice %arg12[%dma_wait3A_127] : memref<8x!tpu.dma_semaphore, #tpu.memory_space<semaphore_mem>> -> memref<1x!tpu.dma_semaphore, #tpu.memory_space<semaphore_mem>>
    %dma_wait3A_137 = tpu.memref_squeeze %dma_wait3A_136 : memref<1x!tpu.dma_semaphore, #tpu.memory_space<semaphore_mem>> -> memref<!tpu.dma_semaphore, #tpu.memory_space<semaphore_mem>>
    tpu.wait_indirect_dma semaphore(%dma_wait3A_137 : memref<!tpu.dma_semaphore, #tpu.memory_space<semaphore_mem>>) src(%dma_wait3A_135 : memref<1000000xf32, #tpu.memory_space<hbm>>) dst(%dma_wait3A_130 : memref<128xf32, #tpu.memory_space<vmem>>)
    %get3A_138 = arith.constant 0 : i32
    %get3A_139 = arith.index_cast %get3A_138 : i32 to index
    %get3A_140 = arith.constant 0 : index
    %get3A_141 = tpu.vector_load %arg7[%get3A_139, %get3A_140] {strides = array<i32>} : memref<8x128xf32, #tpu.memory_space<vmem>>, vector<1x16xf32>,
    %get3A_142 = vector.shape_cast %get3A_141 : vector<1x16xf32> to vector<16xf32>
    %sub3A = arith.subf %get3A_142, %get3A_124 : vector<16xf32>
    %mul3A_143 = arith.constant 0.693147182 : f32
    %mul3A_144 = vector.broadcast %mul3A_143 : f32 to vector<16xf32>
    %mul3A_145 = arith.mulf %sub3A, %mul3A_144 : vector<16xf32>
    %exp3A = math.exp %mul3A_145 : vector<16xf32>
    %swap3A = arith.constant 0 : i32
    %swap3A_146 = arith.index_cast %swap3A : i32 to index
    %swap3A_147 = arith.constant 0 : index
    %swap3A_148 = tpu.vector_load %arg10[%swap3A_146, %swap3A_147] {strides = array<i32>} : memref<8x128xf32, #tpu.memory_space<vmem>>, vector<1x16xf32>,
    %swap3A_149 = vector.shape_cast %swap3A_148 : vector<1x16xf32> to vector<16xf32>
    %swap3A_150 = vector.shape_cast %exp3A : vector<16xf32> to vector<1x16xf32>
    tpu.vector_store %arg10[%swap3A_146, %swap3A_147], %swap3A_150 {strides = array<i32>} : memref<8x128xf32, #tpu.memory_space<vmem>>, vector<1x16xf32>,
    %get3A_151 = arith.constant 0 : i32
    %get3A_152 = arith.index_cast %get3A_151 : i32 to index
    %get3A_153 = arith.constant 16 : index
    %get3A_154 = tpu.vector_load %arg7[%get3A_152, %get3A_153] {strides = array<i32>} : memref<8x128xf32, #tpu.memory_space<vmem>>, vector<1x16xf32>,
    %get3A_155 = vector.shape_cast %get3A_154 : vector<1x16xf32> to vector<16xf32>
    %sub3A_156 = arith.subf %get3A_155, %get3A_124 : vector<16xf32>
    %mul3A_157 = arith.constant 0.693147182 : f32
    %mul3A_158 = vector.broadcast %mul3A_157 : f32 to vector<16xf32>
    %mul3A_159 = arith.mulf %sub3A_156, %mul3A_158 : vector<16xf32>
    %exp3A_160 = math.exp %mul3A_159 : vector<16xf32>
    %swap3A_161 = arith.constant 0 : i32
    %swap3A_162 = arith.index_cast %swap3A_161 : i32 to index
    %swap3A_163 = arith.constant 16 : index
    %swap3A_164 = tpu.vector_load %arg10[%swap3A_162, %swap3A_163] {strides = array<i32>} : memref<8x128xf32, #tpu.memory_space<vmem>>, vector<1x16xf32>,
    %swap3A_165 = vector.shape_cast %swap3A_164 : vector<1x16xf32> to vector<16xf32>
    %swap3A_166 = vector.shape_cast %exp3A_160 : vector<16xf32> to vector<1x16xf32>
    tpu.vector_store %arg10[%swap3A_162, %swap3A_163], %swap3A_166 {strides = array<i32>} : memref<8x128xf32, #tpu.memory_space<vmem>>, vector<1x16xf32>,
    %get3A_167 = arith.constant 0 : i32
    %get3A_168 = arith.index_cast %get3A_167 : i32 to index
    %get3A_169 = arith.constant 32 : index
    %get3A_170 = tpu.vector_load %arg7[%get3A_168, %get3A_169] {strides = array<i32>} : memref<8x128xf32, #tpu.memory_space<vmem>>, vector<1x16xf32>,
    %get3A_171 = vector.shape_cast %get3A_170 : vector<1x16xf32> to vector<16xf32>
    %sub3A_172 = arith.subf %get3A_171, %get3A_124 : vector<16xf32>
    %mul3A_173 = arith.constant 0.693147182 : f32
    %mul3A_174 = vector.broadcast %mul3A_173 : f32 to vector<16xf32>
    %mul3A_175 = arith.mulf %sub3A_172, %mul3A_174 : vector<16xf32>
    %exp3A_176 = math.exp %mul3A_175 : vector<16xf32>
    %swap3A_177 = arith.constant 0 : i32
    %swap3A_178 = arith.index_cast %swap3A_177 : i32 to index
    %swap3A_179 = arith.constant 32 : index
    %swap3A_180 = tpu.vector_load %arg10[%swap3A_178, %swap3A_179] {strides = array<i32>} : memref<8x128xf32, #tpu.memory_space<vmem>>, vector<1x16xf32>,
    %swap3A_181 = vector.shape_cast %swap3A_180 : vector<1x16xf32> to vector<16xf32>
    %swap3A_182 = vector.shape_cast %exp3A_176 : vector<16xf32> to vector<1x16xf32>
    tpu.vector_store %arg10[%swap3A_178, %swap3A_179], %swap3A_182 {strides = array<i32>} : memref<8x128xf32, #tpu.memory_space<vmem>>, vector<1x16xf32>,
    %get3A_183 = arith.constant 0 : i32
    %get3A_184 = arith.index_cast %get3A_183 : i32 to index
    %get3A_185 = arith.constant 48 : index
    %get3A_186 = tpu.vector_load %arg7[%get3A_184, %get3A_185] {strides = array<i32>} : memref<8x128xf32, #tpu.memory_space<vmem>>, vector<1x16xf32>,
    %get3A_187 = vector.shape_cast %get3A_186 : vector<1x16xf32> to vector<16xf32>
    %sub3A_188 = arith.subf %get3A_187, %get3A_124 : vector<16xf32>
    %mul3A_189 = arith.constant 0.693147182 : f32
    %mul3A_190 = vector.broadcast %mul3A_189 : f32 to vector<16xf32>
    %mul3A_191 = arith.mulf %sub3A_188, %mul3A_190 : vector<16xf32>
    %exp3A_192 = math.exp %mul3A_191 : vector<16xf32>
    %swap3A_193 = arith.constant 0 : i32
    %swap3A_194 = arith.index_cast %swap3A_193 : i32 to index
    %swap3A_195 = arith.constant 48 : index
    %swap3A_196 = tpu.vector_load %arg10[%swap3A_194, %swap3A_195] {strides = array<i32>} : memref<8x128xf32, #tpu.memory_space<vmem>>, vector<1x16xf32>,
    %swap3A_197 = vector.shape_cast %swap3A_196 : vector<1x16xf32> to vector<16xf32>
    %swap3A_198 = vector.shape_cast %exp3A_192 : vector<16xf32> to vector<1x16xf32>
    tpu.vector_store %arg10[%swap3A_194, %swap3A_195], %swap3A_198 {strides = array<i32>} : memref<8x128xf32, #tpu.memory_space<vmem>>, vector<1x16xf32>,
    %get3A_199 = arith.constant 0 : i32
    %get3A_200 = arith.index_cast %get3A_199 : i32 to index
    %get3A_201 = arith.constant 64 : index
    %get3A_202 = tpu.vector_load %arg7[%get3A_200, %get3A_201] {strides = array<i32>} : memref<8x128xf32, #tpu.memory_space<vmem>>, vector<1x16xf32>,
    %get3A_203 = vector.shape_cast %get3A_202 : vector<1x16xf32> to vector<16xf32>
    %sub3A_204 = arith.subf %get3A_203, %get3A_124 : vector<16xf32>
    %mul3A_205 = arith.constant 0.693147182 : f32
    %mul3A_206 = vector.broadcast %mul3A_205 : f32 to vector<16xf32>
    %mul3A_207 = arith.mulf %sub3A_204, %mul3A_206 : vector<16xf32>
    %exp3A_208 = math.exp %mul3A_207 : vector<16xf32>
    %swap3A_209 = arith.constant 0 : i32
    %swap3A_210 = arith.index_cast %swap3A_209 : i32 to index
    %swap3A_211 = arith.constant 64 : index
    %swap3A_212 = tpu.vector_load %arg10[%swap3A_210, %swap3A_211] {strides = array<i32>} : memref<8x128xf32, #tpu.memory_space<vmem>>, vector<1x16xf32>,
    %swap3A_213 = vector.shape_cast %swap3A_212 : vector<1x16xf32> to vector<16xf32>
    %swap3A_214 = vector.shape_cast %exp3A_208 : vector<16xf32> to vector<1x16xf32>
    tpu.vector_store %arg10[%swap3A_210, %swap3A_211], %swap3A_214 {strides = array<i32>} : memref<8x128xf32, #tpu.memory_space<vmem>>, vector<1x16xf32>,
    %get3A_215 = arith.constant 0 : i32
    %get3A_216 = arith.index_cast %get3A_215 : i32 to index
    %get3A_217 = arith.constant 80 : index
    %get3A_218 = tpu.vector_load %arg7[%get3A_216, %get3A_217] {strides = array<i32>} : memref<8x128xf32, #tpu.memory_space<vmem>>, vector<1x16xf32>,
    %get3A_219 = vector.shape_cast %get3A_218 : vector<1x16xf32> to vector<16xf32>
    %sub3A_220 = arith.subf %get3A_219, %get3A_124 : vector<16xf32>
    %mul3A_221 = arith.constant 0.693147182 : f32
    %mul3A_222 = vector.broadcast %mul3A_221 : f32 to vector<16xf32>
    %mul3A_223 = arith.mulf %sub3A_220, %mul3A_222 : vector<16xf32>
    %exp3A_224 = math.exp %mul3A_223 : vector<16xf32>
    %swap3A_225 = arith.constant 0 : i32
    %swap3A_226 = arith.index_cast %swap3A_225 : i32 to index
    %swap3A_227 = arith.constant 80 : index
    %swap3A_228 = tpu.vector_load %arg10[%swap3A_226, %swap3A_227] {strides = array<i32>} : memref<8x128xf32, #tpu.memory_space<vmem>>, vector<1x16xf32>,
    %swap3A_229 = vector.shape_cast %swap3A_228 : vector<1x16xf32> to vector<16xf32>
    %swap3A_230 = vector.shape_cast %exp3A_224 : vector<16xf32> to vector<1x16xf32>
    tpu.vector_store %arg10[%swap3A_226, %swap3A_227], %swap3A_230 {strides = array<i32>} : memref<8x128xf32, #tpu.memory_space<vmem>>, vector<1x16xf32>,
    %get3A_231 = arith.constant 0 : i32
    %get3A_232 = arith.index_cast %get3A_231 : i32 to index
    %get3A_233 = arith.constant 96 : index
    %get3A_234 = tpu.vector_load %arg7[%get3A_232, %get3A_233] {strides = array<i32>} : memref<8x128xf32, #tpu.memory_space<vmem>>, vector<1x16xf32>,
    %get3A_235 = vector.shape_cast %get3A_234 : vector<1x16xf32> to vector<16xf32>
    %sub3A_236 = arith.subf %get3A_235, %get3A_124 : vector<16xf32>
    %mul3A_237 = arith.constant 0.693147182 : f32
    %mul3A_238 = vector.broadcast %mul3A_237 : f32 to vector<16xf32>
    %mul3A_239 = arith.mulf %sub3A_236, %mul3A_238 : vector<16xf32>
    %exp3A_240 = math.exp %mul3A_239 : vector<16xf32>
    %swap3A_241 = arith.constant 0 : i32
    %swap3A_242 = arith.index_cast %swap3A_241 : i32 to index
    %swap3A_243 = arith.constant 96 : index
    %swap3A_244 = tpu.vector_load %arg10[%swap3A_242, %swap3A_243] {strides = array<i32>} : memref<8x128xf32, #tpu.memory_space<vmem>>, vector<1x16xf32>,
    %swap3A_245 = vector.shape_cast %swap3A_244 : vector<1x16xf32> to vector<16xf32>
    %swap3A_246 = vector.shape_cast %exp3A_240 : vector<16xf32> to vector<1x16xf32>
    tpu.vector_store %arg10[%swap3A_242, %swap3A_243], %swap3A_246 {strides = array<i32>} : memref<8x128xf32, #tpu.memory_space<vmem>>, vector<1x16xf32>,
    %get3A_247 = arith.constant 0 : i32
    %get3A_248 = arith.index_cast %get3A_247 : i32 to index
    %get3A_249 = arith.constant 112 : index
    %get3A_250 = tpu.vector_load %arg7[%get3A_248, %get3A_249] {strides = array<i32>} : memref<8x128xf32, #tpu.memory_space<vmem>>, vector<1x16xf32>,
    %get3A_251 = vector.shape_cast %get3A_250 : vector<1x16xf32> to vector<16xf32>
    %sub3A_252 = arith.subf %get3A_251, %get3A_124 : vector<16xf32>
    %mul3A_253 = arith.constant 0.693147182 : f32
    %mul3A_254 = vector.broadcast %mul3A_253 : f32 to vector<16xf32>
    %mul3A_255 = arith.mulf %sub3A_252, %mul3A_254 : vector<16xf32>
    %exp3A_256 = math.exp %mul3A_255 : vector<16xf32>
    %swap3A_257 = arith.constant 0 : i32
    %swap3A_258 = arith.index_cast %swap3A_257 : i32 to index
    %swap3A_259 = arith.constant 112 : index
    %swap3A_260 = tpu.vector_load %arg10[%swap3A_258, %swap3A_259] {strides = array<i32>} : memref<8x128xf32, #tpu.memory_space<vmem>>, vector<1x16xf32>,
    %swap3A_261 = vector.shape_cast %swap3A_260 : vector<1x16xf32> to vector<16xf32>
    %swap3A_262 = vector.shape_cast %exp3A_256 : vector<16xf32> to vector<1x16xf32>
    tpu.vector_store %arg10[%swap3A_258, %swap3A_259], %swap3A_262 {strides = array<i32>} : memref<8x128xf32, #tpu.memory_space<vmem>>, vector<1x16xf32>,
    %dma_wait3A_263 = arith.constant 1 : i32
    %dma_wait3A_264 = arith.constant 1 : i32
    %dma_wait3A_265 = arith.constant 1 : i32
    %dma_wait3A_266 = arith.constant 0 : i32
    %dma_wait3A_267 = tpu.memref_slice %arg7[%dma_wait3A_264, %dma_wait3A_266] : memref<8x128xf32, #tpu.memory_space<vmem>> -> memref<1x128xf32, #tpu.memory_space<vmem>>
    %dma_wait3A_268 = tpu.memref_squeeze %dma_wait3A_267 : memref<1x128xf32, #tpu.memory_space<vmem>> -> memref<128xf32, #tpu.memory_space<vmem>>
    %dma_wait3A_269 = arith.constant 0 : i32
    %dma_wait3A_270 = tpu.memref_slice %arg6[%dma_wait3A_263, %dma_wait3A_269] : memref<8x128xi32, #tpu.memory_space<vmem>> -> memref<1x128xi32, #tpu.memory_space<vmem>>
    %dma_wait3A_271 = tpu.memref_squeeze %dma_wait3A_270 : memref<1x128xi32, #tpu.memory_space<vmem>> -> memref<128xi32, #tpu.memory_space<vmem>>
    %dma_wait3A_272 = arith.constant 0 : i32
    %dma_wait3A_273 = tpu.memref_slice %arg2[%dma_wait3A_272] : memref<1000000xf32, #tpu.memory_space<hbm>> -> memref<1000000xf32, #tpu.memory_space<hbm>>
    %dma_wait3A_274 = tpu.memref_slice %arg12[%dma_wait3A_265] : memref<8x!tpu.dma_semaphore, #tpu.memory_space<semaphore_mem>> -> memref<1x!tpu.dma_semaphore, #tpu.memory_space<semaphore_mem>>
    %dma_wait3A_275 = tpu.memref_squeeze %dma_wait3A_274 : memref<1x!tpu.dma_semaphore, #tpu.memory_space<semaphore_mem>> -> memref<!tpu.dma_semaphore, #tpu.memory_space<semaphore_mem>>
    tpu.wait_indirect_dma semaphore(%dma_wait3A_275 : memref<!tpu.dma_semaphore, #tpu.memory_space<semaphore_mem>>) src(%dma_wait3A_273 : memref<1000000xf32, #tpu.memory_space<hbm>>) dst(%dma_wait3A_268 : memref<128xf32, #tpu.memory_space<vmem>>)
    %get3A_276 = arith.constant 1 : i32
    %get3A_277 = arith.index_cast %get3A_276 : i32 to index
    %get3A_278 = arith.constant 0 : index
    %get3A_279 = tpu.vector_load %arg7[%get3A_277, %get3A_278] {strides = array<i32>} : memref<8x128xf32, #tpu.memory_space<vmem>>, vector<1x16xf32>,
    %get3A_280 = vector.shape_cast %get3A_279 : vector<1x16xf32> to vector<16xf32>
    %sub3A_281 = arith.subf %get3A_280, %get3A_124 : vector<16xf32>
    %mul3A_282 = arith.constant 0.693147182 : f32
    %mul3A_283 = vector.broadcast %mul3A_282 : f32 to vector<16xf32>
    %mul3A_284 = arith.mulf %sub3A_281, %mul3A_283 : vector<16xf32>
    %exp3A_285 = math.exp %mul3A_284 : vector<16xf32>
    %swap3A_286 = arith.constant 1 : i32
    %swap3A_287 = arith.index_cast %swap3A_286 : i32 to index
    %swap3A_288 = arith.constant 0 : index
    %swap3A_289 = tpu.vector_load %arg10[%swap3A_287, %swap3A_288] {strides = array<i32>} : memref<8x128xf32, #tpu.memory_space<vmem>>, vector<1x16xf32>,
    %swap3A_290 = vector.shape_cast %swap3A_289 : vector<1x16xf32> to vector<16xf32>
    %swap3A_291 = vector.shape_cast %exp3A_285 : vector<16xf32> to vector<1x16xf32>
    tpu.vector_store %arg10[%swap3A_287, %swap3A_288], %swap3A_291 {strides = array<i32>} : memref<8x128xf32, #tpu.memory_space<vmem>>, vector<1x16xf32>,
    %get3A_292 = arith.constant 1 : i32
    %get3A_293 = arith.index_cast %get3A_292 : i32 to index
    %get3A_294 = arith.constant 16 : index
    %get3A_295 = tpu.vector_load %arg7[%get3A_293, %get3A_294] {strides = array<i32>} : memref<8x128xf32, #tpu.memory_space<vmem>>, vector<1x16xf32>,
    %get3A_296 = vector.shape_cast %get3A_295 : vector<1x16xf32> to vector<16xf32>
    %sub3A_297 = arith.subf %get3A_296, %get3A_124 : vector<16xf32>
    %mul3A_298 = arith.constant 0.693147182 : f32
    %mul3A_299 = vector.broadcast %mul3A_298 : f32 to vector<16xf32>
    %mul3A_300 = arith.mulf %sub3A_297, %mul3A_299 : vector<16xf32>
    %exp3A_301 = math.exp %mul3A_300 : vector<16xf32>
    %swap3A_302 = arith.constant 1 : i32
    %swap3A_303 = arith.index_cast %swap3A_302 : i32 to index
    %swap3A_304 = arith.constant 16 : index
    %swap3A_305 = tpu.vector_load %arg10[%swap3A_303, %swap3A_304] {strides = array<i32>} : memref<8x128xf32, #tpu.memory_space<vmem>>, vector<1x16xf32>,
    %swap3A_306 = vector.shape_cast %swap3A_305 : vector<1x16xf32> to vector<16xf32>
    %swap3A_307 = vector.shape_cast %exp3A_301 : vector<16xf32> to vector<1x16xf32>
    tpu.vector_store %arg10[%swap3A_303, %swap3A_304], %swap3A_307 {strides = array<i32>} : memref<8x128xf32, #tpu.memory_space<vmem>>, vector<1x16xf32>,
    %get3A_308 = arith.constant 1 : i32
    %get3A_309 = arith.index_cast %get3A_308 : i32 to index
    %get3A_310 = arith.constant 32 : index
    %get3A_311 = tpu.vector_load %arg7[%get3A_309, %get3A_310] {strides = array<i32>} : memref<8x128xf32, #tpu.memory_space<vmem>>, vector<1x16xf32>,
    %get3A_312 = vector.shape_cast %get3A_311 : vector<1x16xf32> to vector<16xf32>
    %sub3A_313 = arith.subf %get3A_312, %get3A_124 : vector<16xf32>
    %mul3A_314 = arith.constant 0.693147182 : f32
    %mul3A_315 = vector.broadcast %mul3A_314 : f32 to vector<16xf32>
    %mul3A_316 = arith.mulf %sub3A_313, %mul3A_315 : vector<16xf32>
    %exp3A_317 = math.exp %mul3A_316 : vector<16xf32>
    %swap3A_318 = arith.constant 1 : i32
    %swap3A_319 = arith.index_cast %swap3A_318 : i32 to index
    %swap3A_320 = arith.constant 32 : index
    %swap3A_321 = tpu.vector_load %arg10[%swap3A_319, %swap3A_320] {strides = array<i32>} : memref<8x128xf32, #tpu.memory_space<vmem>>, vector<1x16xf32>,
    %swap3A_322 = vector.shape_cast %swap3A_321 : vector<1x16xf32> to vector<16xf32>
    %swap3A_323 = vector.shape_cast %exp3A_317 : vector<16xf32> to vector<1x16xf32>
    tpu.vector_store %arg10[%swap3A_319, %swap3A_320], %swap3A_323 {strides = array<i32>} : memref<8x128xf32, #tpu.memory_space<vmem>>, vector<1x16xf32>,
    %get3A_324 = arith.constant 1 : i32
    %get3A_325 = arith.index_cast %get3A_324 : i32 to index
    %get3A_326 = arith.constant 48 : index
    %get3A_327 = tpu.vector_load %arg7[%get3A_325, %get3A_326] {strides = array<i32>} : memref<8x128xf32, #tpu.memory_space<vmem>>, vector<1x16xf32>,
    %get3A_328 = vector.shape_cast %get3A_327 : vector<1x16xf32> to vector<16xf32>
    %sub3A_329 = arith.subf %get3A_328, %get3A_124 : vector<16xf32>
    %mul3A_330 = arith.constant 0.693147182 : f32
    %mul3A_331 = vector.broadcast %mul3A_330 : f32 to vector<16xf32>
    %mul3A_332 = arith.mulf %sub3A_329, %mul3A_331 : vector<16xf32>
    %exp3A_333 = math.exp %mul3A_332 : vector<16xf32>
    %swap3A_334 = arith.constant 1 : i32
    %swap3A_335 = arith.index_cast %swap3A_334 : i32 to index
    %swap3A_336 = arith.constant 48 : index
    %swap3A_337 = tpu.vector_load %arg10[%swap3A_335, %swap3A_336] {strides = array<i32>} : memref<8x128xf32, #tpu.memory_space<vmem>>, vector<1x16xf32>,
    %swap3A_338 = vector.shape_cast %swap3A_337 : vector<1x16xf32> to vector<16xf32>
    %swap3A_339 = vector.shape_cast %exp3A_333 : vector<16xf32> to vector<1x16xf32>
    tpu.vector_store %arg10[%swap3A_335, %swap3A_336], %swap3A_339 {strides = array<i32>} : memref<8x128xf32, #tpu.memory_space<vmem>>, vector<1x16xf32>,
    %get3A_340 = arith.constant 1 : i32
    %get3A_341 = arith.index_cast %get3A_340 : i32 to index
    %get3A_342 = arith.constant 64 : index
    %get3A_343 = tpu.vector_load %arg7[%get3A_341, %get3A_342] {strides = array<i32>} : memref<8x128xf32, #tpu.memory_space<vmem>>, vector<1x16xf32>,
    %get3A_344 = vector.shape_cast %get3A_343 : vector<1x16xf32> to vector<16xf32>
    %sub3A_345 = arith.subf %get3A_344, %get3A_124 : vector<16xf32>
    %mul3A_346 = arith.constant 0.693147182 : f32
    %mul3A_347 = vector.broadcast %mul3A_346 : f32 to vector<16xf32>
    %mul3A_348 = arith.mulf %sub3A_345, %mul3A_347 : vector<16xf32>
    %exp3A_349 = math.exp %mul3A_348 : vector<16xf32>
    %swap3A_350 = arith.constant 1 : i32
    %swap3A_351 = arith.index_cast %swap3A_350 : i32 to index
    %swap3A_352 = arith.constant 64 : index
    %swap3A_353 = tpu.vector_load %arg10[%swap3A_351, %swap3A_352] {strides = array<i32>} : memref<8x128xf32, #tpu.memory_space<vmem>>, vector<1x16xf32>,
    %swap3A_354 = vector.shape_cast %swap3A_353 : vector<1x16xf32> to vector<16xf32>
    %swap3A_355 = vector.shape_cast %exp3A_349 : vector<16xf32> to vector<1x16xf32>
    tpu.vector_store %arg10[%swap3A_351, %swap3A_352], %swap3A_355 {strides = array<i32>} : memref<8x128xf32, #tpu.memory_space<vmem>>, vector<1x16xf32>,
    %get3A_356 = arith.constant 1 : i32
    %get3A_357 = arith.index_cast %get3A_356 : i32 to index
    %get3A_358 = arith.constant 80 : index
    %get3A_359 = tpu.vector_load %arg7[%get3A_357, %get3A_358] {strides = array<i32>} : memref<8x128xf32, #tpu.memory_space<vmem>>, vector<1x16xf32>,
    %get3A_360 = vector.shape_cast %get3A_359 : vector<1x16xf32> to vector<16xf32>
    %sub3A_361 = arith.subf %get3A_360, %get3A_124 : vector<16xf32>
    %mul3A_362 = arith.constant 0.693147182 : f32
    %mul3A_363 = vector.broadcast %mul3A_362 : f32 to vector<16xf32>
    %mul3A_364 = arith.mulf %sub3A_361, %mul3A_363 : vector<16xf32>
    %exp3A_365 = math.exp %mul3A_364 : vector<16xf32>
    %swap3A_366 = arith.constant 1 : i32
    %swap3A_367 = arith.index_cast %swap3A_366 : i32 to index
    %swap3A_368 = arith.constant 80 : index
    %swap3A_369 = tpu.vector_load %arg10[%swap3A_367, %swap3A_368] {strides = array<i32>} : memref<8x128xf32, #tpu.memory_space<vmem>>, vector<1x16xf32>,
    %swap3A_370 = vector.shape_cast %swap3A_369 : vector<1x16xf32> to vector<16xf32>
    %swap3A_371 = vector.shape_cast %exp3A_365 : vector<16xf32> to vector<1x16xf32>
    tpu.vector_store %arg10[%swap3A_367, %swap3A_368], %swap3A_371 {strides = array<i32>} : memref<8x128xf32, #tpu.memory_space<vmem>>, vector<1x16xf32>,
    %get3A_372 = arith.constant 1 : i32
    %get3A_373 = arith.index_cast %get3A_372 : i32 to index
    %get3A_374 = arith.constant 96 : index
    %get3A_375 = tpu.vector_load %arg7[%get3A_373, %get3A_374] {strides = array<i32>} : memref<8x128xf32, #tpu.memory_space<vmem>>, vector<1x16xf32>,
    %get3A_376 = vector.shape_cast %get3A_375 : vector<1x16xf32> to vector<16xf32>
    %sub3A_377 = arith.subf %get3A_376, %get3A_124 : vector<16xf32>
    %mul3A_378 = arith.constant 0.693147182 : f32
    %mul3A_379 = vector.broadcast %mul3A_378 : f32 to vector<16xf32>
    %mul3A_380 = arith.mulf %sub3A_377, %mul3A_379 : vector<16xf32>
    %exp3A_381 = math.exp %mul3A_380 : vector<16xf32>
    %swap3A_382 = arith.constant 1 : i32
    %swap3A_383 = arith.index_cast %swap3A_382 : i32 to index
    %swap3A_384 = arith.constant 96 : index
    %swap3A_385 = tpu.vector_load %arg10[%swap3A_383, %swap3A_384] {strides = array<i32>} : memref<8x128xf32, #tpu.memory_space<vmem>>, vector<1x16xf32>,
    %swap3A_386 = vector.shape_cast %swap3A_385 : vector<1x16xf32> to vector<16xf32>
    %swap3A_387 = vector.shape_cast %exp3A_381 : vector<16xf32> to vector<1x16xf32>
    tpu.vector_store %arg10[%swap3A_383, %swap3A_384], %swap3A_387 {strides = array<i32>} : memref<8x128xf32, #tpu.memory_space<vmem>>, vector<1x16xf32>,
    %get3A_388 = arith.constant 1 : i32
    %get3A_389 = arith.index_cast %get3A_388 : i32 to index
    %get3A_390 = arith.constant 112 : index
    %get3A_391 = tpu.vector_load %arg7[%get3A_389, %get3A_390] {strides = array<i32>} : memref<8x128xf32, #tpu.memory_space<vmem>>, vector<1x16xf32>,
    %get3A_392 = vector.shape_cast %get3A_391 : vector<1x16xf32> to vector<16xf32>
    %sub3A_393 = arith.subf %get3A_392, %get3A_124 : vector<16xf32>
    %mul3A_394 = arith.constant 0.693147182 : f32
    %mul3A_395 = vector.broadcast %mul3A_394 : f32 to vector<16xf32>
    %mul3A_396 = arith.mulf %sub3A_393, %mul3A_395 : vector<16xf32>
    %exp3A_397 = math.exp %mul3A_396 : vector<16xf32>
    %swap3A_398 = arith.constant 1 : i32
    %swap3A_399 = arith.index_cast %swap3A_398 : i32 to index
    %swap3A_400 = arith.constant 112 : index
    %swap3A_401 = tpu.vector_load %arg10[%swap3A_399, %swap3A_400] {strides = array<i32>} : memref<8x128xf32, #tpu.memory_space<vmem>>, vector<1x16xf32>,
    %swap3A_402 = vector.shape_cast %swap3A_401 : vector<1x16xf32> to vector<16xf32>
    %swap3A_403 = vector.shape_cast %exp3A_397 : vector<16xf32> to vector<1x16xf32>
    tpu.vector_store %arg10[%swap3A_399, %swap3A_400], %swap3A_403 {strides = array<i32>} : memref<8x128xf32, #tpu.memory_space<vmem>>, vector<1x16xf32>,
    %dma_wait3A_404 = arith.constant 2 : i32
    %dma_wait3A_405 = arith.constant 2 : i32
    %dma_wait3A_406 = arith.constant 2 : i32
    %dma_wait3A_407 = arith.constant 0 : i32
    %dma_wait3A_408 = tpu.memref_slice %arg7[%dma_wait3A_405, %dma_wait3A_407] : memref<8x128xf32, #tpu.memory_space<vmem>> -> memref<1x128xf32, #tpu.memory_space<vmem>>
    %dma_wait3A_409 = tpu.memref_squeeze %dma_wait3A_408 : memref<1x128xf32, #tpu.memory_space<vmem>> -> memref<128xf32, #tpu.memory_space<vmem>>
    %dma_wait3A_410 = arith.constant 0 : i32
    %dma_wait3A_411 = tpu.memref_slice %arg6[%dma_wait3A_404, %dma_wait3A_410] : memref<8x128xi32, #tpu.memory_space<vmem>> -> memref<1x128xi32, #tpu.memory_space<vmem>>
    %dma_wait3A_412 = tpu.memref_squeeze %dma_wait3A_411 : memref<1x128xi32, #tpu.memory_space<vmem>> -> memref<128xi32, #tpu.memory_space<vmem>>
    %dma_wait3A_413 = arith.constant 0 : i32
    %dma_wait3A_414 = tpu.memref_slice %arg2[%dma_wait3A_413] : memref<1000000xf32, #tpu.memory_space<hbm>> -> memref<1000000xf32, #tpu.memory_space<hbm>>
    %dma_wait3A_415 = tpu.memref_slice %arg12[%dma_wait3A_406] : memref<8x!tpu.dma_semaphore, #tpu.memory_space<semaphore_mem>> -> memref<1x!tpu.dma_semaphore, #tpu.memory_space<semaphore_mem>>
    %dma_wait3A_416 = tpu.memref_squeeze %dma_wait3A_415 : memref<1x!tpu.dma_semaphore, #tpu.memory_space<semaphore_mem>> -> memref<!tpu.dma_semaphore, #tpu.memory_space<semaphore_mem>>
    tpu.wait_indirect_dma semaphore(%dma_wait3A_416 : memref<!tpu.dma_semaphore, #tpu.memory_space<semaphore_mem>>) src(%dma_wait3A_414 : memref<1000000xf32, #tpu.memory_space<hbm>>) dst(%dma_wait3A_409 : memref<128xf32, #tpu.memory_space<vmem>>)
    %get3A_417 = arith.constant 2 : i32
    %get3A_418 = arith.index_cast %get3A_417 : i32 to index
    %get3A_419 = arith.constant 0 : index
    %get3A_420 = tpu.vector_load %arg7[%get3A_418, %get3A_419] {strides = array<i32>} : memref<8x128xf32, #tpu.memory_space<vmem>>, vector<1x16xf32>,
    %get3A_421 = vector.shape_cast %get3A_420 : vector<1x16xf32> to vector<16xf32>
    %sub3A_422 = arith.subf %get3A_421, %get3A_124 : vector<16xf32>
    %mul3A_423 = arith.constant 0.693147182 : f32
    %mul3A_424 = vector.broadcast %mul3A_423 : f32 to vector<16xf32>
    %mul3A_425 = arith.mulf %sub3A_422, %mul3A_424 : vector<16xf32>
    %exp3A_426 = math.exp %mul3A_425 : vector<16xf32>
    %swap3A_427 = arith.constant 2 : i32
    %swap3A_428 = arith.index_cast %swap3A_427 : i32 to index
    %swap3A_429 = arith.constant 0 : index
    %swap3A_430 = tpu.vector_load %arg10[%swap3A_428, %swap3A_429] {strides = array<i32>} : memref<8x128xf32, #tpu.memory_space<vmem>>, vector<1x16xf32>,
    %swap3A_431 = vector.shape_cast %swap3A_430 : vector<1x16xf32> to vector<16xf32>
    %swap3A_432 = vector.shape_cast %exp3A_426 : vector<16xf32> to vector<1x16xf32>
    tpu.vector_store %arg10[%swap3A_428, %swap3A_429], %swap3A_432 {strides = array<i32>} : memref<8x128xf32, #tpu.memory_space<vmem>>, vector<1x16xf32>,
    %get3A_433 = arith.constant 2 : i32
    %get3A_434 = arith.index_cast %get3A_433 : i32 to index
    %get3A_435 = arith.constant 16 : index
    %get3A_436 = tpu.vector_load %arg7[%get3A_434, %get3A_435] {strides = array<i32>} : memref<8x128xf32, #tpu.memory_space<vmem>>, vector<1x16xf32>,
    %get3A_437 = vector.shape_cast %get3A_436 : vector<1x16xf32> to vector<16xf32>
    %sub3A_438 = arith.subf %get3A_437, %get3A_124 : vector<16xf32>
    %mul3A_439 = arith.constant 0.693147182 : f32
    %mul3A_440 = vector.broadcast %mul3A_439 : f32 to vector<16xf32>
    %mul3A_441 = arith.mulf %sub3A_438, %mul3A_440 : vector<16xf32>
    %exp3A_442 = math.exp %mul3A_441 : vector<16xf32>
    %swap3A_443 = arith.constant 2 : i32
    %swap3A_444 = arith.index_cast %swap3A_443 : i32 to index
    %swap3A_445 = arith.constant 16 : index
    %swap3A_446 = tpu.vector_load %arg10[%swap3A_444, %swap3A_445] {strides = array<i32>} : memref<8x128xf32, #tpu.memory_space<vmem>>, vector<1x16xf32>,
    %swap3A_447 = vector.shape_cast %swap3A_446 : vector<1x16xf32> to vector<16xf32>
    %swap3A_448 = vector.shape_cast %exp3A_442 : vector<16xf32> to vector<1x16xf32>
    tpu.vector_store %arg10[%swap3A_444, %swap3A_445], %swap3A_448 {strides = array<i32>} : memref<8x128xf32, #tpu.memory_space<vmem>>, vector<1x16xf32>,
    %get3A_449 = arith.constant 2 : i32
    %get3A_450 = arith.index_cast %get3A_449 : i32 to index
    %get3A_451 = arith.constant 32 : index
    %get3A_452 = tpu.vector_load %arg7[%get3A_450, %get3A_451] {strides = array<i32>} : memref<8x128xf32, #tpu.memory_space<vmem>>, vector<1x16xf32>,
    %get3A_453 = vector.shape_cast %get3A_452 : vector<1x16xf32> to vector<16xf32>
    %sub3A_454 = arith.subf %get3A_453, %get3A_124 : vector<16xf32>
    %mul3A_455 = arith.constant 0.693147182 : f32
    %mul3A_456 = vector.broadcast %mul3A_455 : f32 to vector<16xf32>
    %mul3A_457 = arith.mulf %sub3A_454, %mul3A_456 : vector<16xf32>
    %exp3A_458 = math.exp %mul3A_457 : vector<16xf32>
    %swap3A_459 = arith.constant 2 : i32
    %swap3A_460 = arith.index_cast %swap3A_459 : i32 to index
    %swap3A_461 = arith.constant 32 : index
    %swap3A_462 = tpu.vector_load %arg10[%swap3A_460, %swap3A_461] {strides = array<i32>} : memref<8x128xf32, #tpu.memory_space<vmem>>, vector<1x16xf32>,
    %swap3A_463 = vector.shape_cast %swap3A_462 : vector<1x16xf32> to vector<16xf32>
    %swap3A_464 = vector.shape_cast %exp3A_458 : vector<16xf32> to vector<1x16xf32>
    tpu.vector_store %arg10[%swap3A_460, %swap3A_461], %swap3A_464 {strides = array<i32>} : memref<8x128xf32, #tpu.memory_space<vmem>>, vector<1x16xf32>,
    %get3A_465 = arith.constant 2 : i32
    %get3A_466 = arith.index_cast %get3A_465 : i32 to index
    %get3A_467 = arith.constant 48 : index
    %get3A_468 = tpu.vector_load %arg7[%get3A_466, %get3A_467] {strides = array<i32>} : memref<8x128xf32, #tpu.memory_space<vmem>>, vector<1x16xf32>,
    %get3A_469 = vector.shape_cast %get3A_468 : vector<1x16xf32> to vector<16xf32>
    %sub3A_470 = arith.subf %get3A_469, %get3A_124 : vector<16xf32>
    %mul3A_471 = arith.constant 0.693147182 : f32
    %mul3A_472 = vector.broadcast %mul3A_471 : f32 to vector<16xf32>
    %mul3A_473 = arith.mulf %sub3A_470, %mul3A_472 : vector<16xf32>
    %exp3A_474 = math.exp %mul3A_473 : vector<16xf32>
    %swap3A_475 = arith.constant 2 : i32
    %swap3A_476 = arith.index_cast %swap3A_475 : i32 to index
    %swap3A_477 = arith.constant 48 : index
    %swap3A_478 = tpu.vector_load %arg10[%swap3A_476, %swap3A_477] {strides = array<i32>} : memref<8x128xf32, #tpu.memory_space<vmem>>, vector<1x16xf32>,
    %swap3A_479 = vector.shape_cast %swap3A_478 : vector<1x16xf32> to vector<16xf32>
    %swap3A_480 = vector.shape_cast %exp3A_474 : vector<16xf32> to vector<1x16xf32>
    tpu.vector_store %arg10[%swap3A_476, %swap3A_477], %swap3A_480 {strides = array<i32>} : memref<8x128xf32, #tpu.memory_space<vmem>>, vector<1x16xf32>,
    %get3A_481 = arith.constant 2 : i32
    %get3A_482 = arith.index_cast %get3A_481 : i32 to index
    %get3A_483 = arith.constant 64 : index
    %get3A_484 = tpu.vector_load %arg7[%get3A_482, %get3A_483] {strides = array<i32>} : memref<8x128xf32, #tpu.memory_space<vmem>>, vector<1x16xf32>,
    %get3A_485 = vector.shape_cast %get3A_484 : vector<1x16xf32> to vector<16xf32>
    %sub3A_486 = arith.subf %get3A_485, %get3A_124 : vector<16xf32>
    %mul3A_487 = arith.constant 0.693147182 : f32
    %mul3A_488 = vector.broadcast %mul3A_487 : f32 to vector<16xf32>
    %mul3A_489 = arith.mulf %sub3A_486, %mul3A_488 : vector<16xf32>
    %exp3A_490 = math.exp %mul3A_489 : vector<16xf32>
    %swap3A_491 = arith.constant 2 : i32
    %swap3A_492 = arith.index_cast %swap3A_491 : i32 to index
    %swap3A_493 = arith.constant 64 : index
    %swap3A_494 = tpu.vector_load %arg10[%swap3A_492, %swap3A_493] {strides = array<i32>} : memref<8x128xf32, #tpu.memory_space<vmem>>, vector<1x16xf32>,
    %swap3A_495 = vector.shape_cast %swap3A_494 : vector<1x16xf32> to vector<16xf32>
    %swap3A_496 = vector.shape_cast %exp3A_490 : vector<16xf32> to vector<1x16xf32>
    tpu.vector_store %arg10[%swap3A_492, %swap3A_493], %swap3A_496 {strides = array<i32>} : memref<8x128xf32, #tpu.memory_space<vmem>>, vector<1x16xf32>,
    %get3A_497 = arith.constant 2 : i32
    %get3A_498 = arith.index_cast %get3A_497 : i32 to index
    %get3A_499 = arith.constant 80 : index
    %get3A_500 = tpu.vector_load %arg7[%get3A_498, %get3A_499] {strides = array<i32>} : memref<8x128xf32, #tpu.memory_space<vmem>>, vector<1x16xf32>,
    %get3A_501 = vector.shape_cast %get3A_500 : vector<1x16xf32> to vector<16xf32>
    %sub3A_502 = arith.subf %get3A_501, %get3A_124 : vector<16xf32>
    %mul3A_503 = arith.constant 0.693147182 : f32
    %mul3A_504 = vector.broadcast %mul3A_503 : f32 to vector<16xf32>
    %mul3A_505 = arith.mulf %sub3A_502, %mul3A_504 : vector<16xf32>
    %exp3A_506 = math.exp %mul3A_505 : vector<16xf32>
    %swap3A_507 = arith.constant 2 : i32
    %swap3A_508 = arith.index_cast %swap3A_507 : i32 to index
    %swap3A_509 = arith.constant 80 : index
    %swap3A_510 = tpu.vector_load %arg10[%swap3A_508, %swap3A_509] {strides = array<i32>} : memref<8x128xf32, #tpu.memory_space<vmem>>, vector<1x16xf32>,
    %swap3A_511 = vector.shape_cast %swap3A_510 : vector<1x16xf32> to vector<16xf32>
    %swap3A_512 = vector.shape_cast %exp3A_506 : vector<16xf32> to vector<1x16xf32>
    tpu.vector_store %arg10[%swap3A_508, %swap3A_509], %swap3A_512 {strides = array<i32>} : memref<8x128xf32, #tpu.memory_space<vmem>>, vector<1x16xf32>,
    %get3A_513 = arith.constant 2 : i32
    %get3A_514 = arith.index_cast %get3A_513 : i32 to index
    %get3A_515 = arith.constant 96 : index
    %get3A_516 = tpu.vector_load %arg7[%get3A_514, %get3A_515] {strides = array<i32>} : memref<8x128xf32, #tpu.memory_space<vmem>>, vector<1x16xf32>,
    %get3A_517 = vector.shape_cast %get3A_516 : vector<1x16xf32> to vector<16xf32>
    %sub3A_518 = arith.subf %get3A_517, %get3A_124 : vector<16xf32>
    %mul3A_519 = arith.constant 0.693147182 : f32
    %mul3A_520 = vector.broadcast %mul3A_519 : f32 to vector<16xf32>
    %mul3A_521 = arith.mulf %sub3A_518, %mul3A_520 : vector<16xf32>
    %exp3A_522 = math.exp %mul3A_521 : vector<16xf32>
    %swap3A_523 = arith.constant 2 : i32
    %swap3A_524 = arith.index_cast %swap3A_523 : i32 to index
    %swap3A_525 = arith.constant 96 : index
    %swap3A_526 = tpu.vector_load %arg10[%swap3A_524, %swap3A_525] {strides = array<i32>} : memref<8x128xf32, #tpu.memory_space<vmem>>, vector<1x16xf32>,
    %swap3A_527 = vector.shape_cast %swap3A_526 : vector<1x16xf32> to vector<16xf32>
    %swap3A_528 = vector.shape_cast %exp3A_522 : vector<16xf32> to vector<1x16xf32>
    tpu.vector_store %arg10[%swap3A_524, %swap3A_525], %swap3A_528 {strides = array<i32>} : memref<8x128xf32, #tpu.memory_space<vmem>>, vector<1x16xf32>,
    %get3A_529 = arith.constant 2 : i32
    %get3A_530 = arith.index_cast %get3A_529 : i32 to index
    %get3A_531 = arith.constant 112 : index
    %get3A_532 = tpu.vector_load %arg7[%get3A_530, %get3A_531] {strides = array<i32>} : memref<8x128xf32, #tpu.memory_space<vmem>>, vector<1x16xf32>,
    %get3A_533 = vector.shape_cast %get3A_532 : vector<1x16xf32> to vector<16xf32>
    %sub3A_534 = arith.subf %get3A_533, %get3A_124 : vector<16xf32>
    %mul3A_535 = arith.constant 0.693147182 : f32
    %mul3A_536 = vector.broadcast %mul3A_535 : f32 to vector<16xf32>
    %mul3A_537 = arith.mulf %sub3A_534, %mul3A_536 : vector<16xf32>
    %exp3A_538 = math.exp %mul3A_537 : vector<16xf32>
    %swap3A_539 = arith.constant 2 : i32
    %swap3A_540 = arith.index_cast %swap3A_539 : i32 to index
    %swap3A_541 = arith.constant 112 : index
    %swap3A_542 = tpu.vector_load %arg10[%swap3A_540, %swap3A_541] {strides = array<i32>} : memref<8x128xf32, #tpu.memory_space<vmem>>, vector<1x16xf32>,
    %swap3A_543 = vector.shape_cast %swap3A_542 : vector<1x16xf32> to vector<16xf32>
    %swap3A_544 = vector.shape_cast %exp3A_538 : vector<16xf32> to vector<1x16xf32>
    tpu.vector_store %arg10[%swap3A_540, %swap3A_541], %swap3A_544 {strides = array<i32>} : memref<8x128xf32, #tpu.memory_space<vmem>>, vector<1x16xf32>,
    %dma_wait3A_545 = arith.constant 3 : i32
    %dma_wait3A_546 = arith.constant 3 : i32
    %dma_wait3A_547 = arith.constant 3 : i32
    %dma_wait3A_548 = arith.constant 0 : i32
    %dma_wait3A_549 = tpu.memref_slice %arg7[%dma_wait3A_546, %dma_wait3A_548] : memref<8x128xf32, #tpu.memory_space<vmem>> -> memref<1x128xf32, #tpu.memory_space<vmem>>
    %dma_wait3A_550 = tpu.memref_squeeze %dma_wait3A_549 : memref<1x128xf32, #tpu.memory_space<vmem>> -> memref<128xf32, #tpu.memory_space<vmem>>
    %dma_wait3A_551 = arith.constant 0 : i32
    %dma_wait3A_552 = tpu.memref_slice %arg6[%dma_wait3A_545, %dma_wait3A_551] : memref<8x128xi32, #tpu.memory_space<vmem>> -> memref<1x128xi32, #tpu.memory_space<vmem>>
    %dma_wait3A_553 = tpu.memref_squeeze %dma_wait3A_552 : memref<1x128xi32, #tpu.memory_space<vmem>> -> memref<128xi32, #tpu.memory_space<vmem>>
    %dma_wait3A_554 = arith.constant 0 : i32
    %dma_wait3A_555 = tpu.memref_slice %arg2[%dma_wait3A_554] : memref<1000000xf32, #tpu.memory_space<hbm>> -> memref<1000000xf32, #tpu.memory_space<hbm>>
    %dma_wait3A_556 = tpu.memref_slice %arg12[%dma_wait3A_547] : memref<8x!tpu.dma_semaphore, #tpu.memory_space<semaphore_mem>> -> memref<1x!tpu.dma_semaphore, #tpu.memory_space<semaphore_mem>>
    %dma_wait3A_557 = tpu.memref_squeeze %dma_wait3A_556 : memref<1x!tpu.dma_semaphore, #tpu.memory_space<semaphore_mem>> -> memref<!tpu.dma_semaphore, #tpu.memory_space<semaphore_mem>>
    tpu.wait_indirect_dma semaphore(%dma_wait3A_557 : memref<!tpu.dma_semaphore, #tpu.memory_space<semaphore_mem>>) src(%dma_wait3A_555 : memref<1000000xf32, #tpu.memory_space<hbm>>) dst(%dma_wait3A_550 : memref<128xf32, #tpu.memory_space<vmem>>)
    %get3A_558 = arith.constant 3 : i32
    %get3A_559 = arith.index_cast %get3A_558 : i32 to index
    %get3A_560 = arith.constant 0 : index
    %get3A_561 = tpu.vector_load %arg7[%get3A_559, %get3A_560] {strides = array<i32>} : memref<8x128xf32, #tpu.memory_space<vmem>>, vector<1x16xf32>,
    %get3A_562 = vector.shape_cast %get3A_561 : vector<1x16xf32> to vector<16xf32>
    %sub3A_563 = arith.subf %get3A_562, %get3A_124 : vector<16xf32>
    %mul3A_564 = arith.constant 0.693147182 : f32
    %mul3A_565 = vector.broadcast %mul3A_564 : f32 to vector<16xf32>
    %mul3A_566 = arith.mulf %sub3A_563, %mul3A_565 : vector<16xf32>
    %exp3A_567 = math.exp %mul3A_566 : vector<16xf32>
    %swap3A_568 = arith.constant 3 : i32
    %swap3A_569 = arith.index_cast %swap3A_568 : i32 to index
    %swap3A_570 = arith.constant 0 : index
    %swap3A_571 = tpu.vector_load %arg10[%swap3A_569, %swap3A_570] {strides = array<i32>} : memref<8x128xf32, #tpu.memory_space<vmem>>, vector<1x16xf32>,
    %swap3A_572 = vector.shape_cast %swap3A_571 : vector<1x16xf32> to vector<16xf32>
    %swap3A_573 = vector.shape_cast %exp3A_567 : vector<16xf32> to vector<1x16xf32>
    tpu.vector_store %arg10[%swap3A_569, %swap3A_570], %swap3A_573 {strides = array<i32>} : memref<8x128xf32, #tpu.memory_space<vmem>>, vector<1x16xf32>,
    %get3A_574 = arith.constant 3 : i32
    %get3A_575 = arith.index_cast %get3A_574 : i32 to index
    %get3A_576 = arith.constant 16 : index
    %get3A_577 = tpu.vector_load %arg7[%get3A_575, %get3A_576] {strides = array<i32>} : memref<8x128xf32, #tpu.memory_space<vmem>>, vector<1x16xf32>,
    %get3A_578 = vector.shape_cast %get3A_577 : vector<1x16xf32> to vector<16xf32>
    %sub3A_579 = arith.subf %get3A_578, %get3A_124 : vector<16xf32>
    %mul3A_580 = arith.constant 0.693147182 : f32
    %mul3A_581 = vector.broadcast %mul3A_580 : f32 to vector<16xf32>
    %mul3A_582 = arith.mulf %sub3A_579, %mul3A_581 : vector<16xf32>
    %exp3A_583 = math.exp %mul3A_582 : vector<16xf32>
    %swap3A_584 = arith.constant 3 : i32
    %swap3A_585 = arith.index_cast %swap3A_584 : i32 to index
    %swap3A_586 = arith.constant 16 : index
    %swap3A_587 = tpu.vector_load %arg10[%swap3A_585, %swap3A_586] {strides = array<i32>} : memref<8x128xf32, #tpu.memory_space<vmem>>, vector<1x16xf32>,
    %swap3A_588 = vector.shape_cast %swap3A_587 : vector<1x16xf32> to vector<16xf32>
    %swap3A_589 = vector.shape_cast %exp3A_583 : vector<16xf32> to vector<1x16xf32>
    tpu.vector_store %arg10[%swap3A_585, %swap3A_586], %swap3A_589 {strides = array<i32>} : memref<8x128xf32, #tpu.memory_space<vmem>>, vector<1x16xf32>,
    %get3A_590 = arith.constant 3 : i32
    %get3A_591 = arith.index_cast %get3A_590 : i32 to index
    %get3A_592 = arith.constant 32 : index
    %get3A_593 = tpu.vector_load %arg7[%get3A_591, %get3A_592] {strides = array<i32>} : memref<8x128xf32, #tpu.memory_space<vmem>>, vector<1x16xf32>,
    %get3A_594 = vector.shape_cast %get3A_593 : vector<1x16xf32> to vector<16xf32>
    %sub3A_595 = arith.subf %get3A_594, %get3A_124 : vector<16xf32>
    %mul3A_596 = arith.constant 0.693147182 : f32
    %mul3A_597 = vector.broadcast %mul3A_596 : f32 to vector<16xf32>
    %mul3A_598 = arith.mulf %sub3A_595, %mul3A_597 : vector<16xf32>
    %exp3A_599 = math.exp %mul3A_598 : vector<16xf32>
    %swap3A_600 = arith.constant 3 : i32
    %swap3A_601 = arith.index_cast %swap3A_600 : i32 to index
    %swap3A_602 = arith.constant 32 : index
    %swap3A_603 = tpu.vector_load %arg10[%swap3A_601, %swap3A_602] {strides = array<i32>} : memref<8x128xf32, #tpu.memory_space<vmem>>, vector<1x16xf32>,
    %swap3A_604 = vector.shape_cast %swap3A_603 : vector<1x16xf32> to vector<16xf32>
    %swap3A_605 = vector.shape_cast %exp3A_599 : vector<16xf32> to vector<1x16xf32>
    tpu.vector_store %arg10[%swap3A_601, %swap3A_602], %swap3A_605 {strides = array<i32>} : memref<8x128xf32, #tpu.memory_space<vmem>>, vector<1x16xf32>,
    %get3A_606 = arith.constant 3 : i32
    %get3A_607 = arith.index_cast %get3A_606 : i32 to index
    %get3A_608 = arith.constant 48 : index
    %get3A_609 = tpu.vector_load %arg7[%get3A_607, %get3A_608] {strides = array<i32>} : memref<8x128xf32, #tpu.memory_space<vmem>>, vector<1x16xf32>,
    %get3A_610 = vector.shape_cast %get3A_609 : vector<1x16xf32> to vector<16xf32>
    %sub3A_611 = arith.subf %get3A_610, %get3A_124 : vector<16xf32>
    %mul3A_612 = arith.constant 0.693147182 : f32
    %mul3A_613 = vector.broadcast %mul3A_612 : f32 to vector<16xf32>
    %mul3A_614 = arith.mulf %sub3A_611, %mul3A_613 : vector<16xf32>
    %exp3A_615 = math.exp %mul3A_614 : vector<16xf32>
    %swap3A_616 = arith.constant 3 : i32
    %swap3A_617 = arith.index_cast %swap3A_616 : i32 to index
    %swap3A_618 = arith.constant 48 : index
    %swap3A_619 = tpu.vector_load %arg10[%swap3A_617, %swap3A_618] {strides = array<i32>} : memref<8x128xf32, #tpu.memory_space<vmem>>, vector<1x16xf32>,
    %swap3A_620 = vector.shape_cast %swap3A_619 : vector<1x16xf32> to vector<16xf32>
    %swap3A_621 = vector.shape_cast %exp3A_615 : vector<16xf32> to vector<1x16xf32>
    tpu.vector_store %arg10[%swap3A_617, %swap3A_618], %swap3A_621 {strides = array<i32>} : memref<8x128xf32, #tpu.memory_space<vmem>>, vector<1x16xf32>,
    %get3A_622 = arith.constant 3 : i32
    %get3A_623 = arith.index_cast %get3A_622 : i32 to index
    %get3A_624 = arith.constant 64 : index
    %get3A_625 = tpu.vector_load %arg7[%get3A_623, %get3A_624] {strides = array<i32>} : memref<8x128xf32, #tpu.memory_space<vmem>>, vector<1x16xf32>,
    %get3A_626 = vector.shape_cast %get3A_625 : vector<1x16xf32> to vector<16xf32>
    %sub3A_627 = arith.subf %get3A_626, %get3A_124 : vector<16xf32>
    %mul3A_628 = arith.constant 0.693147182 : f32
    %mul3A_629 = vector.broadcast %mul3A_628 : f32 to vector<16xf32>
    %mul3A_630 = arith.mulf %sub3A_627, %mul3A_629 : vector<16xf32>
    %exp3A_631 = math.exp %mul3A_630 : vector<16xf32>
    %swap3A_632 = arith.constant 3 : i32
    %swap3A_633 = arith.index_cast %swap3A_632 : i32 to index
    %swap3A_634 = arith.constant 64 : index
    %swap3A_635 = tpu.vector_load %arg10[%swap3A_633, %swap3A_634] {strides = array<i32>} : memref<8x128xf32, #tpu.memory_space<vmem>>, vector<1x16xf32>,
    %swap3A_636 = vector.shape_cast %swap3A_635 : vector<1x16xf32> to vector<16xf32>
    %swap3A_637 = vector.shape_cast %exp3A_631 : vector<16xf32> to vector<1x16xf32>
    tpu.vector_store %arg10[%swap3A_633, %swap3A_634], %swap3A_637 {strides = array<i32>} : memref<8x128xf32, #tpu.memory_space<vmem>>, vector<1x16xf32>,
    %get3A_638 = arith.constant 3 : i32
    %get3A_639 = arith.index_cast %get3A_638 : i32 to index
    %get3A_640 = arith.constant 80 : index
    %get3A_641 = tpu.vector_load %arg7[%get3A_639, %get3A_640] {strides = array<i32>} : memref<8x128xf32, #tpu.memory_space<vmem>>, vector<1x16xf32>,
    %get3A_642 = vector.shape_cast %get3A_641 : vector<1x16xf32> to vector<16xf32>
    %sub3A_643 = arith.subf %get3A_642, %get3A_124 : vector<16xf32>
    %mul3A_644 = arith.constant 0.693147182 : f32
    %mul3A_645 = vector.broadcast %mul3A_644 : f32 to vector<16xf32>
    %mul3A_646 = arith.mulf %sub3A_643, %mul3A_645 : vector<16xf32>
    %exp3A_647 = math.exp %mul3A_646 : vector<16xf32>
    %swap3A_648 = arith.constant 3 : i32
    %swap3A_649 = arith.index_cast %swap3A_648 : i32 to index
    %swap3A_650 = arith.constant 80 : index
    %swap3A_651 = tpu.vector_load %arg10[%swap3A_649, %swap3A_650] {strides = array<i32>} : memref<8x128xf32, #tpu.memory_space<vmem>>, vector<1x16xf32>,
    %swap3A_652 = vector.shape_cast %swap3A_651 : vector<1x16xf32> to vector<16xf32>
    %swap3A_653 = vector.shape_cast %exp3A_647 : vector<16xf32> to vector<1x16xf32>
    tpu.vector_store %arg10[%swap3A_649, %swap3A_650], %swap3A_653 {strides = array<i32>} : memref<8x128xf32, #tpu.memory_space<vmem>>, vector<1x16xf32>,
    %get3A_654 = arith.constant 3 : i32
    %get3A_655 = arith.index_cast %get3A_654 : i32 to index
    %get3A_656 = arith.constant 96 : index
    %get3A_657 = tpu.vector_load %arg7[%get3A_655, %get3A_656] {strides = array<i32>} : memref<8x128xf32, #tpu.memory_space<vmem>>, vector<1x16xf32>,
    %get3A_658 = vector.shape_cast %get3A_657 : vector<1x16xf32> to vector<16xf32>
    %sub3A_659 = arith.subf %get3A_658, %get3A_124 : vector<16xf32>
    %mul3A_660 = arith.constant 0.693147182 : f32
    %mul3A_661 = vector.broadcast %mul3A_660 : f32 to vector<16xf32>
    %mul3A_662 = arith.mulf %sub3A_659, %mul3A_661 : vector<16xf32>
    %exp3A_663 = math.exp %mul3A_662 : vector<16xf32>
    %swap3A_664 = arith.constant 3 : i32
    %swap3A_665 = arith.index_cast %swap3A_664 : i32 to index
    %swap3A_666 = arith.constant 96 : index
    %swap3A_667 = tpu.vector_load %arg10[%swap3A_665, %swap3A_666] {strides = array<i32>} : memref<8x128xf32, #tpu.memory_space<vmem>>, vector<1x16xf32>,
    %swap3A_668 = vector.shape_cast %swap3A_667 : vector<1x16xf32> to vector<16xf32>
    %swap3A_669 = vector.shape_cast %exp3A_663 : vector<16xf32> to vector<1x16xf32>
    tpu.vector_store %arg10[%swap3A_665, %swap3A_666], %swap3A_669 {strides = array<i32>} : memref<8x128xf32, #tpu.memory_space<vmem>>, vector<1x16xf32>,
    %get3A_670 = arith.constant 3 : i32
    %get3A_671 = arith.index_cast %get3A_670 : i32 to index
    %get3A_672 = arith.constant 112 : index
    %get3A_673 = tpu.vector_load %arg7[%get3A_671, %get3A_672] {strides = array<i32>} : memref<8x128xf32, #tpu.memory_space<vmem>>, vector<1x16xf32>,
    %get3A_674 = vector.shape_cast %get3A_673 : vector<1x16xf32> to vector<16xf32>
    %sub3A_675 = arith.subf %get3A_674, %get3A_124 : vector<16xf32>
    %mul3A_676 = arith.constant 0.693147182 : f32
    %mul3A_677 = vector.broadcast %mul3A_676 : f32 to vector<16xf32>
    %mul3A_678 = arith.mulf %sub3A_675, %mul3A_677 : vector<16xf32>
    %exp3A_679 = math.exp %mul3A_678 : vector<16xf32>
    %swap3A_680 = arith.constant 3 : i32
    %swap3A_681 = arith.index_cast %swap3A_680 : i32 to index
    %swap3A_682 = arith.constant 112 : index
    %swap3A_683 = tpu.vector_load %arg10[%swap3A_681, %swap3A_682] {strides = array<i32>} : memref<8x128xf32, #tpu.memory_space<vmem>>, vector<1x16xf32>,
    %swap3A_684 = vector.shape_cast %swap3A_683 : vector<1x16xf32> to vector<16xf32>
    %swap3A_685 = vector.shape_cast %exp3A_679 : vector<16xf32> to vector<1x16xf32>
    tpu.vector_store %arg10[%swap3A_681, %swap3A_682], %swap3A_685 {strides = array<i32>} : memref<8x128xf32, #tpu.memory_space<vmem>>, vector<1x16xf32>,
    %dma_wait3A_686 = arith.constant 4 : i32
    %dma_wait3A_687 = arith.constant 4 : i32
    %dma_wait3A_688 = arith.constant 4 : i32
    %dma_wait3A_689 = arith.constant 0 : i32
    %dma_wait3A_690 = tpu.memref_slice %arg7[%dma_wait3A_687, %dma_wait3A_689] : memref<8x128xf32, #tpu.memory_space<vmem>> -> memref<1x128xf32, #tpu.memory_space<vmem>>
    %dma_wait3A_691 = tpu.memref_squeeze %dma_wait3A_690 : memref<1x128xf32, #tpu.memory_space<vmem>> -> memref<128xf32, #tpu.memory_space<vmem>>
    %dma_wait3A_692 = arith.constant 0 : i32
    %dma_wait3A_693 = tpu.memref_slice %arg6[%dma_wait3A_686, %dma_wait3A_692] : memref<8x128xi32, #tpu.memory_space<vmem>> -> memref<1x128xi32, #tpu.memory_space<vmem>>
    %dma_wait3A_694 = tpu.memref_squeeze %dma_wait3A_693 : memref<1x128xi32, #tpu.memory_space<vmem>> -> memref<128xi32, #tpu.memory_space<vmem>>
    %dma_wait3A_695 = arith.constant 0 : i32
    %dma_wait3A_696 = tpu.memref_slice %arg2[%dma_wait3A_695] : memref<1000000xf32, #tpu.memory_space<hbm>> -> memref<1000000xf32, #tpu.memory_space<hbm>>
    %dma_wait3A_697 = tpu.memref_slice %arg12[%dma_wait3A_688] : memref<8x!tpu.dma_semaphore, #tpu.memory_space<semaphore_mem>> -> memref<1x!tpu.dma_semaphore, #tpu.memory_space<semaphore_mem>>
    %dma_wait3A_698 = tpu.memref_squeeze %dma_wait3A_697 : memref<1x!tpu.dma_semaphore, #tpu.memory_space<semaphore_mem>> -> memref<!tpu.dma_semaphore, #tpu.memory_space<semaphore_mem>>
    tpu.wait_indirect_dma semaphore(%dma_wait3A_698 : memref<!tpu.dma_semaphore, #tpu.memory_space<semaphore_mem>>) src(%dma_wait3A_696 : memref<1000000xf32, #tpu.memory_space<hbm>>) dst(%dma_wait3A_691 : memref<128xf32, #tpu.memory_space<vmem>>)
    %get3A_699 = arith.constant 4 : i32
    %get3A_700 = arith.index_cast %get3A_699 : i32 to index
    %get3A_701 = arith.constant 0 : index
    %get3A_702 = tpu.vector_load %arg7[%get3A_700, %get3A_701] {strides = array<i32>} : memref<8x128xf32, #tpu.memory_space<vmem>>, vector<1x16xf32>,
    %get3A_703 = vector.shape_cast %get3A_702 : vector<1x16xf32> to vector<16xf32>
    %sub3A_704 = arith.subf %get3A_703, %get3A_124 : vector<16xf32>
    %mul3A_705 = arith.constant 0.693147182 : f32
    %mul3A_706 = vector.broadcast %mul3A_705 : f32 to vector<16xf32>
    %mul3A_707 = arith.mulf %sub3A_704, %mul3A_706 : vector<16xf32>
    %exp3A_708 = math.exp %mul3A_707 : vector<16xf32>
    %swap3A_709 = arith.constant 4 : i32
    %swap3A_710 = arith.index_cast %swap3A_709 : i32 to index
    %swap3A_711 = arith.constant 0 : index
    %swap3A_712 = tpu.vector_load %arg10[%swap3A_710, %swap3A_711] {strides = array<i32>} : memref<8x128xf32, #tpu.memory_space<vmem>>, vector<1x16xf32>,
    %swap3A_713 = vector.shape_cast %swap3A_712 : vector<1x16xf32> to vector<16xf32>
    %swap3A_714 = vector.shape_cast %exp3A_708 : vector<16xf32> to vector<1x16xf32>
    tpu.vector_store %arg10[%swap3A_710, %swap3A_711], %swap3A_714 {strides = array<i32>} : memref<8x128xf32, #tpu.memory_space<vmem>>, vector<1x16xf32>,
    %get3A_715 = arith.constant 4 : i32
    %get3A_716 = arith.index_cast %get3A_715 : i32 to index
    %get3A_717 = arith.constant 16 : index
    %get3A_718 = tpu.vector_load %arg7[%get3A_716, %get3A_717] {strides = array<i32>} : memref<8x128xf32, #tpu.memory_space<vmem>>, vector<1x16xf32>,
    %get3A_719 = vector.shape_cast %get3A_718 : vector<1x16xf32> to vector<16xf32>
    %sub3A_720 = arith.subf %get3A_719, %get3A_124 : vector<16xf32>
    %mul3A_721 = arith.constant 0.693147182 : f32
    %mul3A_722 = vector.broadcast %mul3A_721 : f32 to vector<16xf32>
    %mul3A_723 = arith.mulf %sub3A_720, %mul3A_722 : vector<16xf32>
    %exp3A_724 = math.exp %mul3A_723 : vector<16xf32>
    %swap3A_725 = arith.constant 4 : i32
    %swap3A_726 = arith.index_cast %swap3A_725 : i32 to index
    %swap3A_727 = arith.constant 16 : index
    %swap3A_728 = tpu.vector_load %arg10[%swap3A_726, %swap3A_727] {strides = array<i32>} : memref<8x128xf32, #tpu.memory_space<vmem>>, vector<1x16xf32>,
    %swap3A_729 = vector.shape_cast %swap3A_728 : vector<1x16xf32> to vector<16xf32>
    %swap3A_730 = vector.shape_cast %exp3A_724 : vector<16xf32> to vector<1x16xf32>
    tpu.vector_store %arg10[%swap3A_726, %swap3A_727], %swap3A_730 {strides = array<i32>} : memref<8x128xf32, #tpu.memory_space<vmem>>, vector<1x16xf32>,
    %get3A_731 = arith.constant 4 : i32
    %get3A_732 = arith.index_cast %get3A_731 : i32 to index
    %get3A_733 = arith.constant 32 : index
    %get3A_734 = tpu.vector_load %arg7[%get3A_732, %get3A_733] {strides = array<i32>} : memref<8x128xf32, #tpu.memory_space<vmem>>, vector<1x16xf32>,
    %get3A_735 = vector.shape_cast %get3A_734 : vector<1x16xf32> to vector<16xf32>
    %sub3A_736 = arith.subf %get3A_735, %get3A_124 : vector<16xf32>
    %mul3A_737 = arith.constant 0.693147182 : f32
    %mul3A_738 = vector.broadcast %mul3A_737 : f32 to vector<16xf32>
    %mul3A_739 = arith.mulf %sub3A_736, %mul3A_738 : vector<16xf32>
    %exp3A_740 = math.exp %mul3A_739 : vector<16xf32>
    %swap3A_741 = arith.constant 4 : i32
    %swap3A_742 = arith.index_cast %swap3A_741 : i32 to index
    %swap3A_743 = arith.constant 32 : index
    %swap3A_744 = tpu.vector_load %arg10[%swap3A_742, %swap3A_743] {strides = array<i32>} : memref<8x128xf32, #tpu.memory_space<vmem>>, vector<1x16xf32>,
    %swap3A_745 = vector.shape_cast %swap3A_744 : vector<1x16xf32> to vector<16xf32>
    %swap3A_746 = vector.shape_cast %exp3A_740 : vector<16xf32> to vector<1x16xf32>
    tpu.vector_store %arg10[%swap3A_742, %swap3A_743], %swap3A_746 {strides = array<i32>} : memref<8x128xf32, #tpu.memory_space<vmem>>, vector<1x16xf32>,
    %get3A_747 = arith.constant 4 : i32
    %get3A_748 = arith.index_cast %get3A_747 : i32 to index
    %get3A_749 = arith.constant 48 : index
    %get3A_750 = tpu.vector_load %arg7[%get3A_748, %get3A_749] {strides = array<i32>} : memref<8x128xf32, #tpu.memory_space<vmem>>, vector<1x16xf32>,
    %get3A_751 = vector.shape_cast %get3A_750 : vector<1x16xf32> to vector<16xf32>
    %sub3A_752 = arith.subf %get3A_751, %get3A_124 : vector<16xf32>
    %mul3A_753 = arith.constant 0.693147182 : f32
    %mul3A_754 = vector.broadcast %mul3A_753 : f32 to vector<16xf32>
    %mul3A_755 = arith.mulf %sub3A_752, %mul3A_754 : vector<16xf32>
    %exp3A_756 = math.exp %mul3A_755 : vector<16xf32>
    %swap3A_757 = arith.constant 4 : i32
    %swap3A_758 = arith.index_cast %swap3A_757 : i32 to index
    %swap3A_759 = arith.constant 48 : index
    %swap3A_760 = tpu.vector_load %arg10[%swap3A_758, %swap3A_759] {strides = array<i32>} : memref<8x128xf32, #tpu.memory_space<vmem>>, vector<1x16xf32>,
    %swap3A_761 = vector.shape_cast %swap3A_760 : vector<1x16xf32> to vector<16xf32>
    %swap3A_762 = vector.shape_cast %exp3A_756 : vector<16xf32> to vector<1x16xf32>
    tpu.vector_store %arg10[%swap3A_758, %swap3A_759], %swap3A_762 {strides = array<i32>} : memref<8x128xf32, #tpu.memory_space<vmem>>, vector<1x16xf32>,
    %get3A_763 = arith.constant 4 : i32
    %get3A_764 = arith.index_cast %get3A_763 : i32 to index
    %get3A_765 = arith.constant 64 : index
    %get3A_766 = tpu.vector_load %arg7[%get3A_764, %get3A_765] {strides = array<i32>} : memref<8x128xf32, #tpu.memory_space<vmem>>, vector<1x16xf32>,
    %get3A_767 = vector.shape_cast %get3A_766 : vector<1x16xf32> to vector<16xf32>
    %sub3A_768 = arith.subf %get3A_767, %get3A_124 : vector<16xf32>
    %mul3A_769 = arith.constant 0.693147182 : f32
    %mul3A_770 = vector.broadcast %mul3A_769 : f32 to vector<16xf32>
    %mul3A_771 = arith.mulf %sub3A_768, %mul3A_770 : vector<16xf32>
    %exp3A_772 = math.exp %mul3A_771 : vector<16xf32>
    %swap3A_773 = arith.constant 4 : i32
    %swap3A_774 = arith.index_cast %swap3A_773 : i32 to index
    %swap3A_775 = arith.constant 64 : index
    %swap3A_776 = tpu.vector_load %arg10[%swap3A_774, %swap3A_775] {strides = array<i32>} : memref<8x128xf32, #tpu.memory_space<vmem>>, vector<1x16xf32>,
    %swap3A_777 = vector.shape_cast %swap3A_776 : vector<1x16xf32> to vector<16xf32>
    %swap3A_778 = vector.shape_cast %exp3A_772 : vector<16xf32> to vector<1x16xf32>
    tpu.vector_store %arg10[%swap3A_774, %swap3A_775], %swap3A_778 {strides = array<i32>} : memref<8x128xf32, #tpu.memory_space<vmem>>, vector<1x16xf32>,
    %get3A_779 = arith.constant 4 : i32
    %get3A_780 = arith.index_cast %get3A_779 : i32 to index
    %get3A_781 = arith.constant 80 : index
    %get3A_782 = tpu.vector_load %arg7[%get3A_780, %get3A_781] {strides = array<i32>} : memref<8x128xf32, #tpu.memory_space<vmem>>, vector<1x16xf32>,
    %get3A_783 = vector.shape_cast %get3A_782 : vector<1x16xf32> to vector<16xf32>
    %sub3A_784 = arith.subf %get3A_783, %get3A_124 : vector<16xf32>
    %mul3A_785 = arith.constant 0.693147182 : f32
    %mul3A_786 = vector.broadcast %mul3A_785 : f32 to vector<16xf32>
    %mul3A_787 = arith.mulf %sub3A_784, %mul3A_786 : vector<16xf32>
    %exp3A_788 = math.exp %mul3A_787 : vector<16xf32>
    %swap3A_789 = arith.constant 4 : i32
    %swap3A_790 = arith.index_cast %swap3A_789 : i32 to index
    %swap3A_791 = arith.constant 80 : index
    %swap3A_792 = tpu.vector_load %arg10[%swap3A_790, %swap3A_791] {strides = array<i32>} : memref<8x128xf32, #tpu.memory_space<vmem>>, vector<1x16xf32>,
    %swap3A_793 = vector.shape_cast %swap3A_792 : vector<1x16xf32> to vector<16xf32>
    %swap3A_794 = vector.shape_cast %exp3A_788 : vector<16xf32> to vector<1x16xf32>
    tpu.vector_store %arg10[%swap3A_790, %swap3A_791], %swap3A_794 {strides = array<i32>} : memref<8x128xf32, #tpu.memory_space<vmem>>, vector<1x16xf32>,
    %get3A_795 = arith.constant 4 : i32
    %get3A_796 = arith.index_cast %get3A_795 : i32 to index
    %get3A_797 = arith.constant 96 : index
    %get3A_798 = tpu.vector_load %arg7[%get3A_796, %get3A_797] {strides = array<i32>} : memref<8x128xf32, #tpu.memory_space<vmem>>, vector<1x16xf32>,
    %get3A_799 = vector.shape_cast %get3A_798 : vector<1x16xf32> to vector<16xf32>
    %sub3A_800 = arith.subf %get3A_799, %get3A_124 : vector<16xf32>
    %mul3A_801 = arith.constant 0.693147182 : f32
    %mul3A_802 = vector.broadcast %mul3A_801 : f32 to vector<16xf32>
    %mul3A_803 = arith.mulf %sub3A_800, %mul3A_802 : vector<16xf32>
    %exp3A_804 = math.exp %mul3A_803 : vector<16xf32>
    %swap3A_805 = arith.constant 4 : i32
    %swap3A_806 = arith.index_cast %swap3A_805 : i32 to index
    %swap3A_807 = arith.constant 96 : index
    %swap3A_808 = tpu.vector_load %arg10[%swap3A_806, %swap3A_807] {strides = array<i32>} : memref<8x128xf32, #tpu.memory_space<vmem>>, vector<1x16xf32>,
    %swap3A_809 = vector.shape_cast %swap3A_808 : vector<1x16xf32> to vector<16xf32>
    %swap3A_810 = vector.shape_cast %exp3A_804 : vector<16xf32> to vector<1x16xf32>
    tpu.vector_store %arg10[%swap3A_806, %swap3A_807], %swap3A_810 {strides = array<i32>} : memref<8x128xf32, #tpu.memory_space<vmem>>, vector<1x16xf32>,
    %get3A_811 = arith.constant 4 : i32
    %get3A_812 = arith.index_cast %get3A_811 : i32 to index
    %get3A_813 = arith.constant 112 : index
    %get3A_814 = tpu.vector_load %arg7[%get3A_812, %get3A_813] {strides = array<i32>} : memref<8x128xf32, #tpu.memory_space<vmem>>, vector<1x16xf32>,
    %get3A_815 = vector.shape_cast %get3A_814 : vector<1x16xf32> to vector<16xf32>
    %sub3A_816 = arith.subf %get3A_815, %get3A_124 : vector<16xf32>
    %mul3A_817 = arith.constant 0.693147182 : f32
    %mul3A_818 = vector.broadcast %mul3A_817 : f32 to vector<16xf32>
    %mul3A_819 = arith.mulf %sub3A_816, %mul3A_818 : vector<16xf32>
    %exp3A_820 = math.exp %mul3A_819 : vector<16xf32>
    %swap3A_821 = arith.constant 4 : i32
    %swap3A_822 = arith.index_cast %swap3A_821 : i32 to index
    %swap3A_823 = arith.constant 112 : index
    %swap3A_824 = tpu.vector_load %arg10[%swap3A_822, %swap3A_823] {strides = array<i32>} : memref<8x128xf32, #tpu.memory_space<vmem>>, vector<1x16xf32>,
    %swap3A_825 = vector.shape_cast %swap3A_824 : vector<1x16xf32> to vector<16xf32>
    %swap3A_826 = vector.shape_cast %exp3A_820 : vector<16xf32> to vector<1x16xf32>
    tpu.vector_store %arg10[%swap3A_822, %swap3A_823], %swap3A_826 {strides = array<i32>} : memref<8x128xf32, #tpu.memory_space<vmem>>, vector<1x16xf32>,
    %dma_wait3A_827 = arith.constant 5 : i32
    %dma_wait3A_828 = arith.constant 5 : i32
    %dma_wait3A_829 = arith.constant 5 : i32
    %dma_wait3A_830 = arith.constant 0 : i32
    %dma_wait3A_831 = tpu.memref_slice %arg7[%dma_wait3A_828, %dma_wait3A_830] : memref<8x128xf32, #tpu.memory_space<vmem>> -> memref<1x128xf32, #tpu.memory_space<vmem>>
    %dma_wait3A_832 = tpu.memref_squeeze %dma_wait3A_831 : memref<1x128xf32, #tpu.memory_space<vmem>> -> memref<128xf32, #tpu.memory_space<vmem>>
    %dma_wait3A_833 = arith.constant 0 : i32
    %dma_wait3A_834 = tpu.memref_slice %arg6[%dma_wait3A_827, %dma_wait3A_833] : memref<8x128xi32, #tpu.memory_space<vmem>> -> memref<1x128xi32, #tpu.memory_space<vmem>>
    %dma_wait3A_835 = tpu.memref_squeeze %dma_wait3A_834 : memref<1x128xi32, #tpu.memory_space<vmem>> -> memref<128xi32, #tpu.memory_space<vmem>>
    %dma_wait3A_836 = arith.constant 0 : i32
    %dma_wait3A_837 = tpu.memref_slice %arg2[%dma_wait3A_836] : memref<1000000xf32, #tpu.memory_space<hbm>> -> memref<1000000xf32, #tpu.memory_space<hbm>>
    %dma_wait3A_838 = tpu.memref_slice %arg12[%dma_wait3A_829] : memref<8x!tpu.dma_semaphore, #tpu.memory_space<semaphore_mem>> -> memref<1x!tpu.dma_semaphore, #tpu.memory_space<semaphore_mem>>
    %dma_wait3A_839 = tpu.memref_squeeze %dma_wait3A_838 : memref<1x!tpu.dma_semaphore, #tpu.memory_space<semaphore_mem>> -> memref<!tpu.dma_semaphore, #tpu.memory_space<semaphore_mem>>
    tpu.wait_indirect_dma semaphore(%dma_wait3A_839 : memref<!tpu.dma_semaphore, #tpu.memory_space<semaphore_mem>>) src(%dma_wait3A_837 : memref<1000000xf32, #tpu.memory_space<hbm>>) dst(%dma_wait3A_832 : memref<128xf32, #tpu.memory_space<vmem>>)
    %get3A_840 = arith.constant 5 : i32
    %get3A_841 = arith.index_cast %get3A_840 : i32 to index
    %get3A_842 = arith.constant 0 : index
    %get3A_843 = tpu.vector_load %arg7[%get3A_841, %get3A_842] {strides = array<i32>} : memref<8x128xf32, #tpu.memory_space<vmem>>, vector<1x16xf32>,
    %get3A_844 = vector.shape_cast %get3A_843 : vector<1x16xf32> to vector<16xf32>
    %sub3A_845 = arith.subf %get3A_844, %get3A_124 : vector<16xf32>
    %mul3A_846 = arith.constant 0.693147182 : f32
    %mul3A_847 = vector.broadcast %mul3A_846 : f32 to vector<16xf32>
    %mul3A_848 = arith.mulf %sub3A_845, %mul3A_847 : vector<16xf32>
    %exp3A_849 = math.exp %mul3A_848 : vector<16xf32>
    %swap3A_850 = arith.constant 5 : i32
    %swap3A_851 = arith.index_cast %swap3A_850 : i32 to index
    %swap3A_852 = arith.constant 0 : index
    %swap3A_853 = tpu.vector_load %arg10[%swap3A_851, %swap3A_852] {strides = array<i32>} : memref<8x128xf32, #tpu.memory_space<vmem>>, vector<1x16xf32>,
    %swap3A_854 = vector.shape_cast %swap3A_853 : vector<1x16xf32> to vector<16xf32>
    %swap3A_855 = vector.shape_cast %exp3A_849 : vector<16xf32> to vector<1x16xf32>
    tpu.vector_store %arg10[%swap3A_851, %swap3A_852], %swap3A_855 {strides = array<i32>} : memref<8x128xf32, #tpu.memory_space<vmem>>, vector<1x16xf32>,
    %get3A_856 = arith.constant 5 : i32
    %get3A_857 = arith.index_cast %get3A_856 : i32 to index
    %get3A_858 = arith.constant 16 : index
    %get3A_859 = tpu.vector_load %arg7[%get3A_857, %get3A_858] {strides = array<i32>} : memref<8x128xf32, #tpu.memory_space<vmem>>, vector<1x16xf32>,
    %get3A_860 = vector.shape_cast %get3A_859 : vector<1x16xf32> to vector<16xf32>
    %sub3A_861 = arith.subf %get3A_860, %get3A_124 : vector<16xf32>
    %mul3A_862 = arith.constant 0.693147182 : f32
    %mul3A_863 = vector.broadcast %mul3A_862 : f32 to vector<16xf32>
    %mul3A_864 = arith.mulf %sub3A_861, %mul3A_863 : vector<16xf32>
    %exp3A_865 = math.exp %mul3A_864 : vector<16xf32>
    %swap3A_866 = arith.constant 5 : i32
    %swap3A_867 = arith.index_cast %swap3A_866 : i32 to index
    %swap3A_868 = arith.constant 16 : index
    %swap3A_869 = tpu.vector_load %arg10[%swap3A_867, %swap3A_868] {strides = array<i32>} : memref<8x128xf32, #tpu.memory_space<vmem>>, vector<1x16xf32>,
    %swap3A_870 = vector.shape_cast %swap3A_869 : vector<1x16xf32> to vector<16xf32>
    %swap3A_871 = vector.shape_cast %exp3A_865 : vector<16xf32> to vector<1x16xf32>
    tpu.vector_store %arg10[%swap3A_867, %swap3A_868], %swap3A_871 {strides = array<i32>} : memref<8x128xf32, #tpu.memory_space<vmem>>, vector<1x16xf32>,
    %get3A_872 = arith.constant 5 : i32
    %get3A_873 = arith.index_cast %get3A_872 : i32 to index
    %get3A_874 = arith.constant 32 : index
    %get3A_875 = tpu.vector_load %arg7[%get3A_873, %get3A_874] {strides = array<i32>} : memref<8x128xf32, #tpu.memory_space<vmem>>, vector<1x16xf32>,
    %get3A_876 = vector.shape_cast %get3A_875 : vector<1x16xf32> to vector<16xf32>
    %sub3A_877 = arith.subf %get3A_876, %get3A_124 : vector<16xf32>
    %mul3A_878 = arith.constant 0.693147182 : f32
    %mul3A_879 = vector.broadcast %mul3A_878 : f32 to vector<16xf32>
    %mul3A_880 = arith.mulf %sub3A_877, %mul3A_879 : vector<16xf32>
    %exp3A_881 = math.exp %mul3A_880 : vector<16xf32>
    %swap3A_882 = arith.constant 5 : i32
    %swap3A_883 = arith.index_cast %swap3A_882 : i32 to index
    %swap3A_884 = arith.constant 32 : index
    %swap3A_885 = tpu.vector_load %arg10[%swap3A_883, %swap3A_884] {strides = array<i32>} : memref<8x128xf32, #tpu.memory_space<vmem>>, vector<1x16xf32>,
    %swap3A_886 = vector.shape_cast %swap3A_885 : vector<1x16xf32> to vector<16xf32>
    %swap3A_887 = vector.shape_cast %exp3A_881 : vector<16xf32> to vector<1x16xf32>
    tpu.vector_store %arg10[%swap3A_883, %swap3A_884], %swap3A_887 {strides = array<i32>} : memref<8x128xf32, #tpu.memory_space<vmem>>, vector<1x16xf32>,
    %get3A_888 = arith.constant 5 : i32
    %get3A_889 = arith.index_cast %get3A_888 : i32 to index
    %get3A_890 = arith.constant 48 : index
    %get3A_891 = tpu.vector_load %arg7[%get3A_889, %get3A_890] {strides = array<i32>} : memref<8x128xf32, #tpu.memory_space<vmem>>, vector<1x16xf32>,
    %get3A_892 = vector.shape_cast %get3A_891 : vector<1x16xf32> to vector<16xf32>
    %sub3A_893 = arith.subf %get3A_892, %get3A_124 : vector<16xf32>
    %mul3A_894 = arith.constant 0.693147182 : f32
    %mul3A_895 = vector.broadcast %mul3A_894 : f32 to vector<16xf32>
    %mul3A_896 = arith.mulf %sub3A_893, %mul3A_895 : vector<16xf32>
    %exp3A_897 = math.exp %mul3A_896 : vector<16xf32>
    %swap3A_898 = arith.constant 5 : i32
    %swap3A_899 = arith.index_cast %swap3A_898 : i32 to index
    %swap3A_900 = arith.constant 48 : index
    %swap3A_901 = tpu.vector_load %arg10[%swap3A_899, %swap3A_900] {strides = array<i32>} : memref<8x128xf32, #tpu.memory_space<vmem>>, vector<1x16xf32>,
    %swap3A_902 = vector.shape_cast %swap3A_901 : vector<1x16xf32> to vector<16xf32>
    %swap3A_903 = vector.shape_cast %exp3A_897 : vector<16xf32> to vector<1x16xf32>
    tpu.vector_store %arg10[%swap3A_899, %swap3A_900], %swap3A_903 {strides = array<i32>} : memref<8x128xf32, #tpu.memory_space<vmem>>, vector<1x16xf32>,
    %get3A_904 = arith.constant 5 : i32
    %get3A_905 = arith.index_cast %get3A_904 : i32 to index
    %get3A_906 = arith.constant 64 : index
    %get3A_907 = tpu.vector_load %arg7[%get3A_905, %get3A_906] {strides = array<i32>} : memref<8x128xf32, #tpu.memory_space<vmem>>, vector<1x16xf32>,
    %get3A_908 = vector.shape_cast %get3A_907 : vector<1x16xf32> to vector<16xf32>
    %sub3A_909 = arith.subf %get3A_908, %get3A_124 : vector<16xf32>
    %mul3A_910 = arith.constant 0.693147182 : f32
    %mul3A_911 = vector.broadcast %mul3A_910 : f32 to vector<16xf32>
    %mul3A_912 = arith.mulf %sub3A_909, %mul3A_911 : vector<16xf32>
    %exp3A_913 = math.exp %mul3A_912 : vector<16xf32>
    %swap3A_914 = arith.constant 5 : i32
    %swap3A_915 = arith.index_cast %swap3A_914 : i32 to index
    %swap3A_916 = arith.constant 64 : index
    %swap3A_917 = tpu.vector_load %arg10[%swap3A_915, %swap3A_916] {strides = array<i32>} : memref<8x128xf32, #tpu.memory_space<vmem>>, vector<1x16xf32>,
    %swap3A_918 = vector.shape_cast %swap3A_917 : vector<1x16xf32> to vector<16xf32>
    %swap3A_919 = vector.shape_cast %exp3A_913 : vector<16xf32> to vector<1x16xf32>
    tpu.vector_store %arg10[%swap3A_915, %swap3A_916], %swap3A_919 {strides = array<i32>} : memref<8x128xf32, #tpu.memory_space<vmem>>, vector<1x16xf32>,
    %get3A_920 = arith.constant 5 : i32
    %get3A_921 = arith.index_cast %get3A_920 : i32 to index
    %get3A_922 = arith.constant 80 : index
    %get3A_923 = tpu.vector_load %arg7[%get3A_921, %get3A_922] {strides = array<i32>} : memref<8x128xf32, #tpu.memory_space<vmem>>, vector<1x16xf32>,
    %get3A_924 = vector.shape_cast %get3A_923 : vector<1x16xf32> to vector<16xf32>
    %sub3A_925 = arith.subf %get3A_924, %get3A_124 : vector<16xf32>
    %mul3A_926 = arith.constant 0.693147182 : f32
    %mul3A_927 = vector.broadcast %mul3A_926 : f32 to vector<16xf32>
    %mul3A_928 = arith.mulf %sub3A_925, %mul3A_927 : vector<16xf32>
    %exp3A_929 = math.exp %mul3A_928 : vector<16xf32>
    %swap3A_930 = arith.constant 5 : i32
    %swap3A_931 = arith.index_cast %swap3A_930 : i32 to index
    %swap3A_932 = arith.constant 80 : index
    %swap3A_933 = tpu.vector_load %arg10[%swap3A_931, %swap3A_932] {strides = array<i32>} : memref<8x128xf32, #tpu.memory_space<vmem>>, vector<1x16xf32>,
    %swap3A_934 = vector.shape_cast %swap3A_933 : vector<1x16xf32> to vector<16xf32>
    %swap3A_935 = vector.shape_cast %exp3A_929 : vector<16xf32> to vector<1x16xf32>
    tpu.vector_store %arg10[%swap3A_931, %swap3A_932], %swap3A_935 {strides = array<i32>} : memref<8x128xf32, #tpu.memory_space<vmem>>, vector<1x16xf32>,
    %get3A_936 = arith.constant 5 : i32
    %get3A_937 = arith.index_cast %get3A_936 : i32 to index
    %get3A_938 = arith.constant 96 : index
    %get3A_939 = tpu.vector_load %arg7[%get3A_937, %get3A_938] {strides = array<i32>} : memref<8x128xf32, #tpu.memory_space<vmem>>, vector<1x16xf32>,
    %get3A_940 = vector.shape_cast %get3A_939 : vector<1x16xf32> to vector<16xf32>
    %sub3A_941 = arith.subf %get3A_940, %get3A_124 : vector<16xf32>
    %mul3A_942 = arith.constant 0.693147182 : f32
    %mul3A_943 = vector.broadcast %mul3A_942 : f32 to vector<16xf32>
    %mul3A_944 = arith.mulf %sub3A_941, %mul3A_943 : vector<16xf32>
    %exp3A_945 = math.exp %mul3A_944 : vector<16xf32>
    %swap3A_946 = arith.constant 5 : i32
    %swap3A_947 = arith.index_cast %swap3A_946 : i32 to index
    %swap3A_948 = arith.constant 96 : index
    %swap3A_949 = tpu.vector_load %arg10[%swap3A_947, %swap3A_948] {strides = array<i32>} : memref<8x128xf32, #tpu.memory_space<vmem>>, vector<1x16xf32>,
    %swap3A_950 = vector.shape_cast %swap3A_949 : vector<1x16xf32> to vector<16xf32>
    %swap3A_951 = vector.shape_cast %exp3A_945 : vector<16xf32> to vector<1x16xf32>
    tpu.vector_store %arg10[%swap3A_947, %swap3A_948], %swap3A_951 {strides = array<i32>} : memref<8x128xf32, #tpu.memory_space<vmem>>, vector<1x16xf32>,
    %get3A_952 = arith.constant 5 : i32
    %get3A_953 = arith.index_cast %get3A_952 : i32 to index
    %get3A_954 = arith.constant 112 : index
    %get3A_955 = tpu.vector_load %arg7[%get3A_953, %get3A_954] {strides = array<i32>} : memref<8x128xf32, #tpu.memory_space<vmem>>, vector<1x16xf32>,
    %get3A_956 = vector.shape_cast %get3A_955 : vector<1x16xf32> to vector<16xf32>
    %sub3A_957 = arith.subf %get3A_956, %get3A_124 : vector<16xf32>
    %mul3A_958 = arith.constant 0.693147182 : f32
    %mul3A_959 = vector.broadcast %mul3A_958 : f32 to vector<16xf32>
    %mul3A_960 = arith.mulf %sub3A_957, %mul3A_959 : vector<16xf32>
    %exp3A_961 = math.exp %mul3A_960 : vector<16xf32>
    %swap3A_962 = arith.constant 5 : i32
    %swap3A_963 = arith.index_cast %swap3A_962 : i32 to index
    %swap3A_964 = arith.constant 112 : index
    %swap3A_965 = tpu.vector_load %arg10[%swap3A_963, %swap3A_964] {strides = array<i32>} : memref<8x128xf32, #tpu.memory_space<vmem>>, vector<1x16xf32>,
    %swap3A_966 = vector.shape_cast %swap3A_965 : vector<1x16xf32> to vector<16xf32>
    %swap3A_967 = vector.shape_cast %exp3A_961 : vector<16xf32> to vector<1x16xf32>
    tpu.vector_store %arg10[%swap3A_963, %swap3A_964], %swap3A_967 {strides = array<i32>} : memref<8x128xf32, #tpu.memory_space<vmem>>, vector<1x16xf32>,
    %dma_wait3A_968 = arith.constant 6 : i32
    %dma_wait3A_969 = arith.constant 6 : i32
    %dma_wait3A_970 = arith.constant 6 : i32
    %dma_wait3A_971 = arith.constant 0 : i32
    %dma_wait3A_972 = tpu.memref_slice %arg7[%dma_wait3A_969, %dma_wait3A_971] : memref<8x128xf32, #tpu.memory_space<vmem>> -> memref<1x128xf32, #tpu.memory_space<vmem>>
    %dma_wait3A_973 = tpu.memref_squeeze %dma_wait3A_972 : memref<1x128xf32, #tpu.memory_space<vmem>> -> memref<128xf32, #tpu.memory_space<vmem>>
    %dma_wait3A_974 = arith.constant 0 : i32
    %dma_wait3A_975 = tpu.memref_slice %arg6[%dma_wait3A_968, %dma_wait3A_974] : memref<8x128xi32, #tpu.memory_space<vmem>> -> memref<1x128xi32, #tpu.memory_space<vmem>>
    %dma_wait3A_976 = tpu.memref_squeeze %dma_wait3A_975 : memref<1x128xi32, #tpu.memory_space<vmem>> -> memref<128xi32, #tpu.memory_space<vmem>>
    %dma_wait3A_977 = arith.constant 0 : i32
    %dma_wait3A_978 = tpu.memref_slice %arg2[%dma_wait3A_977] : memref<1000000xf32, #tpu.memory_space<hbm>> -> memref<1000000xf32, #tpu.memory_space<hbm>>
    %dma_wait3A_979 = tpu.memref_slice %arg12[%dma_wait3A_970] : memref<8x!tpu.dma_semaphore, #tpu.memory_space<semaphore_mem>> -> memref<1x!tpu.dma_semaphore, #tpu.memory_space<semaphore_mem>>
    %dma_wait3A_980 = tpu.memref_squeeze %dma_wait3A_979 : memref<1x!tpu.dma_semaphore, #tpu.memory_space<semaphore_mem>> -> memref<!tpu.dma_semaphore, #tpu.memory_space<semaphore_mem>>
    tpu.wait_indirect_dma semaphore(%dma_wait3A_980 : memref<!tpu.dma_semaphore, #tpu.memory_space<semaphore_mem>>) src(%dma_wait3A_978 : memref<1000000xf32, #tpu.memory_space<hbm>>) dst(%dma_wait3A_973 : memref<128xf32, #tpu.memory_space<vmem>>)
    %get3A_981 = arith.constant 6 : i32
    %get3A_982 = arith.index_cast %get3A_981 : i32 to index
    %get3A_983 = arith.constant 0 : index
    %get3A_984 = tpu.vector_load %arg7[%get3A_982, %get3A_983] {strides = array<i32>} : memref<8x128xf32, #tpu.memory_space<vmem>>, vector<1x16xf32>,
    %get3A_985 = vector.shape_cast %get3A_984 : vector<1x16xf32> to vector<16xf32>
    %sub3A_986 = arith.subf %get3A_985, %get3A_124 : vector<16xf32>
    %mul3A_987 = arith.constant 0.693147182 : f32
    %mul3A_988 = vector.broadcast %mul3A_987 : f32 to vector<16xf32>
    %mul3A_989 = arith.mulf %sub3A_986, %mul3A_988 : vector<16xf32>
    %exp3A_990 = math.exp %mul3A_989 : vector<16xf32>
    %swap3A_991 = arith.constant 6 : i32
    %swap3A_992 = arith.index_cast %swap3A_991 : i32 to index
    %swap3A_993 = arith.constant 0 : index
    %swap3A_994 = tpu.vector_load %arg10[%swap3A_992, %swap3A_993] {strides = array<i32>} : memref<8x128xf32, #tpu.memory_space<vmem>>, vector<1x16xf32>,
    %swap3A_995 = vector.shape_cast %swap3A_994 : vector<1x16xf32> to vector<16xf32>
    %swap3A_996 = vector.shape_cast %exp3A_990 : vector<16xf32> to vector<1x16xf32>
    tpu.vector_store %arg10[%swap3A_992, %swap3A_993], %swap3A_996 {strides = array<i32>} : memref<8x128xf32, #tpu.memory_space<vmem>>, vector<1x16xf32>,
    %get3A_997 = arith.constant 6 : i32
    %get3A_998 = arith.index_cast %get3A_997 : i32 to index
    %get3A_999 = arith.constant 16 : index
    %get3A_1000 = tpu.vector_load %arg7[%get3A_998, %get3A_999] {strides = array<i32>} : memref<8x128xf32, #tpu.memory_space<vmem>>, vector<1x16xf32>,
    %get3A_1001 = vector.shape_cast %get3A_1000 : vector<1x16xf32> to vector<16xf32>
    %sub3A_1002 = arith.subf %get3A_1001, %get3A_124 : vector<16xf32>
    %mul3A_1003 = arith.constant 0.693147182 : f32
    %mul3A_1004 = vector.broadcast %mul3A_1003 : f32 to vector<16xf32>
    %mul3A_1005 = arith.mulf %sub3A_1002, %mul3A_1004 : vector<16xf32>
    %exp3A_1006 = math.exp %mul3A_1005 : vector<16xf32>
    %swap3A_1007 = arith.constant 6 : i32
    %swap3A_1008 = arith.index_cast %swap3A_1007 : i32 to index
    %swap3A_1009 = arith.constant 16 : index
    %swap3A_1010 = tpu.vector_load %arg10[%swap3A_1008, %swap3A_1009] {strides = array<i32>} : memref<8x128xf32, #tpu.memory_space<vmem>>, vector<1x16xf32>,
    %swap3A_1011 = vector.shape_cast %swap3A_1010 : vector<1x16xf32> to vector<16xf32>
    %swap3A_1012 = vector.shape_cast %exp3A_1006 : vector<16xf32> to vector<1x16xf32>
    tpu.vector_store %arg10[%swap3A_1008, %swap3A_1009], %swap3A_1012 {strides = array<i32>} : memref<8x128xf32, #tpu.memory_space<vmem>>, vector<1x16xf32>,
    %get3A_1013 = arith.constant 6 : i32
    %get3A_1014 = arith.index_cast %get3A_1013 : i32 to index
    %get3A_1015 = arith.constant 32 : index
    %get3A_1016 = tpu.vector_load %arg7[%get3A_1014, %get3A_1015] {strides = array<i32>} : memref<8x128xf32, #tpu.memory_space<vmem>>, vector<1x16xf32>,
    %get3A_1017 = vector.shape_cast %get3A_1016 : vector<1x16xf32> to vector<16xf32>
    %sub3A_1018 = arith.subf %get3A_1017, %get3A_124 : vector<16xf32>
    %mul3A_1019 = arith.constant 0.693147182 : f32
    %mul3A_1020 = vector.broadcast %mul3A_1019 : f32 to vector<16xf32>
    %mul3A_1021 = arith.mulf %sub3A_1018, %mul3A_1020 : vector<16xf32>
    %exp3A_1022 = math.exp %mul3A_1021 : vector<16xf32>
    %swap3A_1023 = arith.constant 6 : i32
    %swap3A_1024 = arith.index_cast %swap3A_1023 : i32 to index
    %swap3A_1025 = arith.constant 32 : index
    %swap3A_1026 = tpu.vector_load %arg10[%swap3A_1024, %swap3A_1025] {strides = array<i32>} : memref<8x128xf32, #tpu.memory_space<vmem>>, vector<1x16xf32>,
    %swap3A_1027 = vector.shape_cast %swap3A_1026 : vector<1x16xf32> to vector<16xf32>
    %swap3A_1028 = vector.shape_cast %exp3A_1022 : vector<16xf32> to vector<1x16xf32>
    tpu.vector_store %arg10[%swap3A_1024, %swap3A_1025], %swap3A_1028 {strides = array<i32>} : memref<8x128xf32, #tpu.memory_space<vmem>>, vector<1x16xf32>,
    %get3A_1029 = arith.constant 6 : i32
    %get3A_1030 = arith.index_cast %get3A_1029 : i32 to index
    %get3A_1031 = arith.constant 48 : index
    %get3A_1032 = tpu.vector_load %arg7[%get3A_1030, %get3A_1031] {strides = array<i32>} : memref<8x128xf32, #tpu.memory_space<vmem>>, vector<1x16xf32>,
    %get3A_1033 = vector.shape_cast %get3A_1032 : vector<1x16xf32> to vector<16xf32>
    %sub3A_1034 = arith.subf %get3A_1033, %get3A_124 : vector<16xf32>
    %mul3A_1035 = arith.constant 0.693147182 : f32
    %mul3A_1036 = vector.broadcast %mul3A_1035 : f32 to vector<16xf32>
    %mul3A_1037 = arith.mulf %sub3A_1034, %mul3A_1036 : vector<16xf32>
    %exp3A_1038 = math.exp %mul3A_1037 : vector<16xf32>
    %swap3A_1039 = arith.constant 6 : i32
    %swap3A_1040 = arith.index_cast %swap3A_1039 : i32 to index
    %swap3A_1041 = arith.constant 48 : index
    %swap3A_1042 = tpu.vector_load %arg10[%swap3A_1040, %swap3A_1041] {strides = array<i32>} : memref<8x128xf32, #tpu.memory_space<vmem>>, vector<1x16xf32>,
    %swap3A_1043 = vector.shape_cast %swap3A_1042 : vector<1x16xf32> to vector<16xf32>
    %swap3A_1044 = vector.shape_cast %exp3A_1038 : vector<16xf32> to vector<1x16xf32>
    tpu.vector_store %arg10[%swap3A_1040, %swap3A_1041], %swap3A_1044 {strides = array<i32>} : memref<8x128xf32, #tpu.memory_space<vmem>>, vector<1x16xf32>,
    %get3A_1045 = arith.constant 6 : i32
    %get3A_1046 = arith.index_cast %get3A_1045 : i32 to index
    %get3A_1047 = arith.constant 64 : index
    %get3A_1048 = tpu.vector_load %arg7[%get3A_1046, %get3A_1047] {strides = array<i32>} : memref<8x128xf32, #tpu.memory_space<vmem>>, vector<1x16xf32>,
    %get3A_1049 = vector.shape_cast %get3A_1048 : vector<1x16xf32> to vector<16xf32>
    %sub3A_1050 = arith.subf %get3A_1049, %get3A_124 : vector<16xf32>
    %mul3A_1051 = arith.constant 0.693147182 : f32
    %mul3A_1052 = vector.broadcast %mul3A_1051 : f32 to vector<16xf32>
    %mul3A_1053 = arith.mulf %sub3A_1050, %mul3A_1052 : vector<16xf32>
    %exp3A_1054 = math.exp %mul3A_1053 : vector<16xf32>
    %swap3A_1055 = arith.constant 6 : i32
    %swap3A_1056 = arith.index_cast %swap3A_1055 : i32 to index
    %swap3A_1057 = arith.constant 64 : index
    %swap3A_1058 = tpu.vector_load %arg10[%swap3A_1056, %swap3A_1057] {strides = array<i32>} : memref<8x128xf32, #tpu.memory_space<vmem>>, vector<1x16xf32>,
    %swap3A_1059 = vector.shape_cast %swap3A_1058 : vector<1x16xf32> to vector<16xf32>
    %swap3A_1060 = vector.shape_cast %exp3A_1054 : vector<16xf32> to vector<1x16xf32>
    tpu.vector_store %arg10[%swap3A_1056, %swap3A_1057], %swap3A_1060 {strides = array<i32>} : memref<8x128xf32, #tpu.memory_space<vmem>>, vector<1x16xf32>,
    %get3A_1061 = arith.constant 6 : i32
    %get3A_1062 = arith.index_cast %get3A_1061 : i32 to index
    %get3A_1063 = arith.constant 80 : index
    %get3A_1064 = tpu.vector_load %arg7[%get3A_1062, %get3A_1063] {strides = array<i32>} : memref<8x128xf32, #tpu.memory_space<vmem>>, vector<1x16xf32>,
    %get3A_1065 = vector.shape_cast %get3A_1064 : vector<1x16xf32> to vector<16xf32>
    %sub3A_1066 = arith.subf %get3A_1065, %get3A_124 : vector<16xf32>
    %mul3A_1067 = arith.constant 0.693147182 : f32
    %mul3A_1068 = vector.broadcast %mul3A_1067 : f32 to vector<16xf32>
    %mul3A_1069 = arith.mulf %sub3A_1066, %mul3A_1068 : vector<16xf32>
    %exp3A_1070 = math.exp %mul3A_1069 : vector<16xf32>
    %swap3A_1071 = arith.constant 6 : i32
    %swap3A_1072 = arith.index_cast %swap3A_1071 : i32 to index
    %swap3A_1073 = arith.constant 80 : index
    %swap3A_1074 = tpu.vector_load %arg10[%swap3A_1072, %swap3A_1073] {strides = array<i32>} : memref<8x128xf32, #tpu.memory_space<vmem>>, vector<1x16xf32>,
    %swap3A_1075 = vector.shape_cast %swap3A_1074 : vector<1x16xf32> to vector<16xf32>
    %swap3A_1076 = vector.shape_cast %exp3A_1070 : vector<16xf32> to vector<1x16xf32>
    tpu.vector_store %arg10[%swap3A_1072, %swap3A_1073], %swap3A_1076 {strides = array<i32>} : memref<8x128xf32, #tpu.memory_space<vmem>>, vector<1x16xf32>,
    %get3A_1077 = arith.constant 6 : i32
    %get3A_1078 = arith.index_cast %get3A_1077 : i32 to index
    %get3A_1079 = arith.constant 96 : index
    %get3A_1080 = tpu.vector_load %arg7[%get3A_1078, %get3A_1079] {strides = array<i32>} : memref<8x128xf32, #tpu.memory_space<vmem>>, vector<1x16xf32>,
    %get3A_1081 = vector.shape_cast %get3A_1080 : vector<1x16xf32> to vector<16xf32>
    %sub3A_1082 = arith.subf %get3A_1081, %get3A_124 : vector<16xf32>
    %mul3A_1083 = arith.constant 0.693147182 : f32
    %mul3A_1084 = vector.broadcast %mul3A_1083 : f32 to vector<16xf32>
    %mul3A_1085 = arith.mulf %sub3A_1082, %mul3A_1084 : vector<16xf32>
    %exp3A_1086 = math.exp %mul3A_1085 : vector<16xf32>
    %swap3A_1087 = arith.constant 6 : i32
    %swap3A_1088 = arith.index_cast %swap3A_1087 : i32 to index
    %swap3A_1089 = arith.constant 96 : index
    %swap3A_1090 = tpu.vector_load %arg10[%swap3A_1088, %swap3A_1089] {strides = array<i32>} : memref<8x128xf32, #tpu.memory_space<vmem>>, vector<1x16xf32>,
    %swap3A_1091 = vector.shape_cast %swap3A_1090 : vector<1x16xf32> to vector<16xf32>
    %swap3A_1092 = vector.shape_cast %exp3A_1086 : vector<16xf32> to vector<1x16xf32>
    tpu.vector_store %arg10[%swap3A_1088, %swap3A_1089], %swap3A_1092 {strides = array<i32>} : memref<8x128xf32, #tpu.memory_space<vmem>>, vector<1x16xf32>,
    %get3A_1093 = arith.constant 6 : i32
    %get3A_1094 = arith.index_cast %get3A_1093 : i32 to index
    %get3A_1095 = arith.constant 112 : index
    %get3A_1096 = tpu.vector_load %arg7[%get3A_1094, %get3A_1095] {strides = array<i32>} : memref<8x128xf32, #tpu.memory_space<vmem>>, vector<1x16xf32>,
    %get3A_1097 = vector.shape_cast %get3A_1096 : vector<1x16xf32> to vector<16xf32>
    %sub3A_1098 = arith.subf %get3A_1097, %get3A_124 : vector<16xf32>
    %mul3A_1099 = arith.constant 0.693147182 : f32
    %mul3A_1100 = vector.broadcast %mul3A_1099 : f32 to vector<16xf32>
    %mul3A_1101 = arith.mulf %sub3A_1098, %mul3A_1100 : vector<16xf32>
    %exp3A_1102 = math.exp %mul3A_1101 : vector<16xf32>
    %swap3A_1103 = arith.constant 6 : i32
    %swap3A_1104 = arith.index_cast %swap3A_1103 : i32 to index
    %swap3A_1105 = arith.constant 112 : index
    %swap3A_1106 = tpu.vector_load %arg10[%swap3A_1104, %swap3A_1105] {strides = array<i32>} : memref<8x128xf32, #tpu.memory_space<vmem>>, vector<1x16xf32>,
    %swap3A_1107 = vector.shape_cast %swap3A_1106 : vector<1x16xf32> to vector<16xf32>
    %swap3A_1108 = vector.shape_cast %exp3A_1102 : vector<16xf32> to vector<1x16xf32>
    tpu.vector_store %arg10[%swap3A_1104, %swap3A_1105], %swap3A_1108 {strides = array<i32>} : memref<8x128xf32, #tpu.memory_space<vmem>>, vector<1x16xf32>,
    %dma_wait3A_1109 = arith.constant 7 : i32
    %dma_wait3A_1110 = arith.constant 7 : i32
    %dma_wait3A_1111 = arith.constant 7 : i32
    %dma_wait3A_1112 = arith.constant 0 : i32
    %dma_wait3A_1113 = tpu.memref_slice %arg7[%dma_wait3A_1110, %dma_wait3A_1112] : memref<8x128xf32, #tpu.memory_space<vmem>> -> memref<1x128xf32, #tpu.memory_space<vmem>>
    %dma_wait3A_1114 = tpu.memref_squeeze %dma_wait3A_1113 : memref<1x128xf32, #tpu.memory_space<vmem>> -> memref<128xf32, #tpu.memory_space<vmem>>
    %dma_wait3A_1115 = arith.constant 0 : i32
    %dma_wait3A_1116 = tpu.memref_slice %arg6[%dma_wait3A_1109, %dma_wait3A_1115] : memref<8x128xi32, #tpu.memory_space<vmem>> -> memref<1x128xi32, #tpu.memory_space<vmem>>
    %dma_wait3A_1117 = tpu.memref_squeeze %dma_wait3A_1116 : memref<1x128xi32, #tpu.memory_space<vmem>> -> memref<128xi32, #tpu.memory_space<vmem>>
    %dma_wait3A_1118 = arith.constant 0 : i32
    %dma_wait3A_1119 = tpu.memref_slice %arg2[%dma_wait3A_1118] : memref<1000000xf32, #tpu.memory_space<hbm>> -> memref<1000000xf32, #tpu.memory_space<hbm>>
    %dma_wait3A_1120 = tpu.memref_slice %arg12[%dma_wait3A_1111] : memref<8x!tpu.dma_semaphore, #tpu.memory_space<semaphore_mem>> -> memref<1x!tpu.dma_semaphore, #tpu.memory_space<semaphore_mem>>
    %dma_wait3A_1121 = tpu.memref_squeeze %dma_wait3A_1120 : memref<1x!tpu.dma_semaphore, #tpu.memory_space<semaphore_mem>> -> memref<!tpu.dma_semaphore, #tpu.memory_space<semaphore_mem>>
    tpu.wait_indirect_dma semaphore(%dma_wait3A_1121 : memref<!tpu.dma_semaphore, #tpu.memory_space<semaphore_mem>>) src(%dma_wait3A_1119 : memref<1000000xf32, #tpu.memory_space<hbm>>) dst(%dma_wait3A_1114 : memref<128xf32, #tpu.memory_space<vmem>>)
    %get3A_1122 = arith.constant 7 : i32
    %get3A_1123 = arith.index_cast %get3A_1122 : i32 to index
    %get3A_1124 = arith.constant 0 : index
    %get3A_1125 = tpu.vector_load %arg7[%get3A_1123, %get3A_1124] {strides = array<i32>} : memref<8x128xf32, #tpu.memory_space<vmem>>, vector<1x16xf32>,
    %get3A_1126 = vector.shape_cast %get3A_1125 : vector<1x16xf32> to vector<16xf32>
    %sub3A_1127 = arith.subf %get3A_1126, %get3A_124 : vector<16xf32>
    %mul3A_1128 = arith.constant 0.693147182 : f32
    %mul3A_1129 = vector.broadcast %mul3A_1128 : f32 to vector<16xf32>
    %mul3A_1130 = arith.mulf %sub3A_1127, %mul3A_1129 : vector<16xf32>
    %exp3A_1131 = math.exp %mul3A_1130 : vector<16xf32>
    %swap3A_1132 = arith.constant 7 : i32
    %swap3A_1133 = arith.index_cast %swap3A_1132 : i32 to index
    %swap3A_1134 = arith.constant 0 : index
    %swap3A_1135 = tpu.vector_load %arg10[%swap3A_1133, %swap3A_1134] {strides = array<i32>} : memref<8x128xf32, #tpu.memory_space<vmem>>, vector<1x16xf32>,
    %swap3A_1136 = vector.shape_cast %swap3A_1135 : vector<1x16xf32> to vector<16xf32>
    %swap3A_1137 = vector.shape_cast %exp3A_1131 : vector<16xf32> to vector<1x16xf32>
    tpu.vector_store %arg10[%swap3A_1133, %swap3A_1134], %swap3A_1137 {strides = array<i32>} : memref<8x128xf32, #tpu.memory_space<vmem>>, vector<1x16xf32>,
    %get3A_1138 = arith.constant 7 : i32
    %get3A_1139 = arith.index_cast %get3A_1138 : i32 to index
    %get3A_1140 = arith.constant 16 : index
    %get3A_1141 = tpu.vector_load %arg7[%get3A_1139, %get3A_1140] {strides = array<i32>} : memref<8x128xf32, #tpu.memory_space<vmem>>, vector<1x16xf32>,
    %get3A_1142 = vector.shape_cast %get3A_1141 : vector<1x16xf32> to vector<16xf32>
    %sub3A_1143 = arith.subf %get3A_1142, %get3A_124 : vector<16xf32>
    %mul3A_1144 = arith.constant 0.693147182 : f32
    %mul3A_1145 = vector.broadcast %mul3A_1144 : f32 to vector<16xf32>
    %mul3A_1146 = arith.mulf %sub3A_1143, %mul3A_1145 : vector<16xf32>
    %exp3A_1147 = math.exp %mul3A_1146 : vector<16xf32>
    %swap3A_1148 = arith.constant 7 : i32
    %swap3A_1149 = arith.index_cast %swap3A_1148 : i32 to index
    %swap3A_1150 = arith.constant 16 : index
    %swap3A_1151 = tpu.vector_load %arg10[%swap3A_1149, %swap3A_1150] {strides = array<i32>} : memref<8x128xf32, #tpu.memory_space<vmem>>, vector<1x16xf32>,
    %swap3A_1152 = vector.shape_cast %swap3A_1151 : vector<1x16xf32> to vector<16xf32>
    %swap3A_1153 = vector.shape_cast %exp3A_1147 : vector<16xf32> to vector<1x16xf32>
    tpu.vector_store %arg10[%swap3A_1149, %swap3A_1150], %swap3A_1153 {strides = array<i32>} : memref<8x128xf32, #tpu.memory_space<vmem>>, vector<1x16xf32>,
    %get3A_1154 = arith.constant 7 : i32
    %get3A_1155 = arith.index_cast %get3A_1154 : i32 to index
    %get3A_1156 = arith.constant 32 : index
    %get3A_1157 = tpu.vector_load %arg7[%get3A_1155, %get3A_1156] {strides = array<i32>} : memref<8x128xf32, #tpu.memory_space<vmem>>, vector<1x16xf32>,
    %get3A_1158 = vector.shape_cast %get3A_1157 : vector<1x16xf32> to vector<16xf32>
    %sub3A_1159 = arith.subf %get3A_1158, %get3A_124 : vector<16xf32>
    %mul3A_1160 = arith.constant 0.693147182 : f32
    %mul3A_1161 = vector.broadcast %mul3A_1160 : f32 to vector<16xf32>
    %mul3A_1162 = arith.mulf %sub3A_1159, %mul3A_1161 : vector<16xf32>
    %exp3A_1163 = math.exp %mul3A_1162 : vector<16xf32>
    %swap3A_1164 = arith.constant 7 : i32
    %swap3A_1165 = arith.index_cast %swap3A_1164 : i32 to index
    %swap3A_1166 = arith.constant 32 : index
    %swap3A_1167 = tpu.vector_load %arg10[%swap3A_1165, %swap3A_1166] {strides = array<i32>} : memref<8x128xf32, #tpu.memory_space<vmem>>, vector<1x16xf32>,
    %swap3A_1168 = vector.shape_cast %swap3A_1167 : vector<1x16xf32> to vector<16xf32>
    %swap3A_1169 = vector.shape_cast %exp3A_1163 : vector<16xf32> to vector<1x16xf32>
    tpu.vector_store %arg10[%swap3A_1165, %swap3A_1166], %swap3A_1169 {strides = array<i32>} : memref<8x128xf32, #tpu.memory_space<vmem>>, vector<1x16xf32>,
    %get3A_1170 = arith.constant 7 : i32
    %get3A_1171 = arith.index_cast %get3A_1170 : i32 to index
    %get3A_1172 = arith.constant 48 : index
    %get3A_1173 = tpu.vector_load %arg7[%get3A_1171, %get3A_1172] {strides = array<i32>} : memref<8x128xf32, #tpu.memory_space<vmem>>, vector<1x16xf32>,
    %get3A_1174 = vector.shape_cast %get3A_1173 : vector<1x16xf32> to vector<16xf32>
    %sub3A_1175 = arith.subf %get3A_1174, %get3A_124 : vector<16xf32>
    %mul3A_1176 = arith.constant 0.693147182 : f32
    %mul3A_1177 = vector.broadcast %mul3A_1176 : f32 to vector<16xf32>
    %mul3A_1178 = arith.mulf %sub3A_1175, %mul3A_1177 : vector<16xf32>
    %exp3A_1179 = math.exp %mul3A_1178 : vector<16xf32>
    %swap3A_1180 = arith.constant 7 : i32
    %swap3A_1181 = arith.index_cast %swap3A_1180 : i32 to index
    %swap3A_1182 = arith.constant 48 : index
    %swap3A_1183 = tpu.vector_load %arg10[%swap3A_1181, %swap3A_1182] {strides = array<i32>} : memref<8x128xf32, #tpu.memory_space<vmem>>, vector<1x16xf32>,
    %swap3A_1184 = vector.shape_cast %swap3A_1183 : vector<1x16xf32> to vector<16xf32>
    %swap3A_1185 = vector.shape_cast %exp3A_1179 : vector<16xf32> to vector<1x16xf32>
    tpu.vector_store %arg10[%swap3A_1181, %swap3A_1182], %swap3A_1185 {strides = array<i32>} : memref<8x128xf32, #tpu.memory_space<vmem>>, vector<1x16xf32>,
    %get3A_1186 = arith.constant 7 : i32
    %get3A_1187 = arith.index_cast %get3A_1186 : i32 to index
    %get3A_1188 = arith.constant 64 : index
    %get3A_1189 = tpu.vector_load %arg7[%get3A_1187, %get3A_1188] {strides = array<i32>} : memref<8x128xf32, #tpu.memory_space<vmem>>, vector<1x16xf32>,
    %get3A_1190 = vector.shape_cast %get3A_1189 : vector<1x16xf32> to vector<16xf32>
    %sub3A_1191 = arith.subf %get3A_1190, %get3A_124 : vector<16xf32>
    %mul3A_1192 = arith.constant 0.693147182 : f32
    %mul3A_1193 = vector.broadcast %mul3A_1192 : f32 to vector<16xf32>
    %mul3A_1194 = arith.mulf %sub3A_1191, %mul3A_1193 : vector<16xf32>
    %exp3A_1195 = math.exp %mul3A_1194 : vector<16xf32>
    %swap3A_1196 = arith.constant 7 : i32
    %swap3A_1197 = arith.index_cast %swap3A_1196 : i32 to index
    %swap3A_1198 = arith.constant 64 : index
    %swap3A_1199 = tpu.vector_load %arg10[%swap3A_1197, %swap3A_1198] {strides = array<i32>} : memref<8x128xf32, #tpu.memory_space<vmem>>, vector<1x16xf32>,
    %swap3A_1200 = vector.shape_cast %swap3A_1199 : vector<1x16xf32> to vector<16xf32>
    %swap3A_1201 = vector.shape_cast %exp3A_1195 : vector<16xf32> to vector<1x16xf32>
    tpu.vector_store %arg10[%swap3A_1197, %swap3A_1198], %swap3A_1201 {strides = array<i32>} : memref<8x128xf32, #tpu.memory_space<vmem>>, vector<1x16xf32>,
    %get3A_1202 = arith.constant 7 : i32
    %get3A_1203 = arith.index_cast %get3A_1202 : i32 to index
    %get3A_1204 = arith.constant 80 : index
    %get3A_1205 = tpu.vector_load %arg7[%get3A_1203, %get3A_1204] {strides = array<i32>} : memref<8x128xf32, #tpu.memory_space<vmem>>, vector<1x16xf32>,
    %get3A_1206 = vector.shape_cast %get3A_1205 : vector<1x16xf32> to vector<16xf32>
    %sub3A_1207 = arith.subf %get3A_1206, %get3A_124 : vector<16xf32>
    %mul3A_1208 = arith.constant 0.693147182 : f32
    %mul3A_1209 = vector.broadcast %mul3A_1208 : f32 to vector<16xf32>
    %mul3A_1210 = arith.mulf %sub3A_1207, %mul3A_1209 : vector<16xf32>
    %exp3A_1211 = math.exp %mul3A_1210 : vector<16xf32>
    %swap3A_1212 = arith.constant 7 : i32
    %swap3A_1213 = arith.index_cast %swap3A_1212 : i32 to index
    %swap3A_1214 = arith.constant 80 : index
    %swap3A_1215 = tpu.vector_load %arg10[%swap3A_1213, %swap3A_1214] {strides = array<i32>} : memref<8x128xf32, #tpu.memory_space<vmem>>, vector<1x16xf32>,
    %swap3A_1216 = vector.shape_cast %swap3A_1215 : vector<1x16xf32> to vector<16xf32>
    %swap3A_1217 = vector.shape_cast %exp3A_1211 : vector<16xf32> to vector<1x16xf32>
    tpu.vector_store %arg10[%swap3A_1213, %swap3A_1214], %swap3A_1217 {strides = array<i32>} : memref<8x128xf32, #tpu.memory_space<vmem>>, vector<1x16xf32>,
    %get3A_1218 = arith.constant 7 : i32
    %get3A_1219 = arith.index_cast %get3A_1218 : i32 to index
    %get3A_1220 = arith.constant 96 : index
    %get3A_1221 = tpu.vector_load %arg7[%get3A_1219, %get3A_1220] {strides = array<i32>} : memref<8x128xf32, #tpu.memory_space<vmem>>, vector<1x16xf32>,
    %get3A_1222 = vector.shape_cast %get3A_1221 : vector<1x16xf32> to vector<16xf32>
    %sub3A_1223 = arith.subf %get3A_1222, %get3A_124 : vector<16xf32>
    %mul3A_1224 = arith.constant 0.693147182 : f32
    %mul3A_1225 = vector.broadcast %mul3A_1224 : f32 to vector<16xf32>
    %mul3A_1226 = arith.mulf %sub3A_1223, %mul3A_1225 : vector<16xf32>
    %exp3A_1227 = math.exp %mul3A_1226 : vector<16xf32>
    %swap3A_1228 = arith.constant 7 : i32
    %swap3A_1229 = arith.index_cast %swap3A_1228 : i32 to index
    %swap3A_1230 = arith.constant 96 : index
    %swap3A_1231 = tpu.vector_load %arg10[%swap3A_1229, %swap3A_1230] {strides = array<i32>} : memref<8x128xf32, #tpu.memory_space<vmem>>, vector<1x16xf32>,
    %swap3A_1232 = vector.shape_cast %swap3A_1231 : vector<1x16xf32> to vector<16xf32>
    %swap3A_1233 = vector.shape_cast %exp3A_1227 : vector<16xf32> to vector<1x16xf32>
    tpu.vector_store %arg10[%swap3A_1229, %swap3A_1230], %swap3A_1233 {strides = array<i32>} : memref<8x128xf32, #tpu.memory_space<vmem>>, vector<1x16xf32>,
    %get3A_1234 = arith.constant 7 : i32
    %get3A_1235 = arith.index_cast %get3A_1234 : i32 to index
    %get3A_1236 = arith.constant 112 : index
    %get3A_1237 = tpu.vector_load %arg7[%get3A_1235, %get3A_1236] {strides = array<i32>} : memref<8x128xf32, #tpu.memory_space<vmem>>, vector<1x16xf32>,
    %get3A_1238 = vector.shape_cast %get3A_1237 : vector<1x16xf32> to vector<16xf32>
    %sub3A_1239 = arith.subf %get3A_1238, %get3A_124 : vector<16xf32>
    %mul3A_1240 = arith.constant 0.693147182 : f32
    %mul3A_1241 = vector.broadcast %mul3A_1240 : f32 to vector<16xf32>
    %mul3A_1242 = arith.mulf %sub3A_1239, %mul3A_1241 : vector<16xf32>
    %exp3A_1243 = math.exp %mul3A_1242 : vector<16xf32>
    %swap3A_1244 = arith.constant 7 : i32
    %swap3A_1245 = arith.index_cast %swap3A_1244 : i32 to index
    %swap3A_1246 = arith.constant 112 : index
    %swap3A_1247 = tpu.vector_load %arg10[%swap3A_1245, %swap3A_1246] {strides = array<i32>} : memref<8x128xf32, #tpu.memory_space<vmem>>, vector<1x16xf32>,
    %swap3A_1248 = vector.shape_cast %swap3A_1247 : vector<1x16xf32> to vector<16xf32>
    %swap3A_1249 = vector.shape_cast %exp3A_1243 : vector<16xf32> to vector<1x16xf32>
    tpu.vector_store %arg10[%swap3A_1245, %swap3A_1246], %swap3A_1249 {strides = array<i32>} : memref<8x128xf32, #tpu.memory_space<vmem>>, vector<1x16xf32>,
    "tpu.region"() ({
      %run_scoped3A = tpu.sem_alloc : memref<!tpu.dma_semaphore, #tpu.memory_space<semaphore_mem>>
      %dma_start3A_1250 = arith.constant 0 : i32
      %dma_start3A_1251 = arith.constant 0 : i32
      %dma_start3A_1252 = tpu.memref_slice %arg5[%add3A, %dma_start3A_1250, %dma_start3A_1251] : memref<16x8x128xf32, #tpu.memory_space<hbm>> -> memref<1x8x128xf32, #tpu.memory_space<hbm>>
      %dma_start3A_1253 = tpu.memref_squeeze %dma_start3A_1252 : memref<1x8x128xf32, #tpu.memory_space<hbm>> -> memref<8x128xf32, #tpu.memory_space<hbm>>
      %dma_start3A_1254 = arith.constant 0 : i32
      %dma_start3A_1255 = arith.constant 0 : i32
      %dma_start3A_1256 = tpu.memref_slice %arg5[%add3A, %dma_start3A_1254, %dma_start3A_1255] : memref<16x8x128xf32, #tpu.memory_space<hbm>> -> memref<1x8x128xf32, #tpu.memory_space<hbm>>
      %dma_start3A_1257 = tpu.memref_squeeze %dma_start3A_1256 : memref<1x8x128xf32, #tpu.memory_space<hbm>> -> memref<8x128xf32, #tpu.memory_space<hbm>>
      tpu.enqueue_dma source(%arg10 : memref<8x128xf32, #tpu.memory_space<vmem>>) target(%dma_start3A_1257 : memref<8x128xf32, #tpu.memory_space<hbm>>) target_semaphore(%run_scoped3A : memref<!tpu.dma_semaphore, #tpu.memory_space<semaphore_mem>>)
      %dma_wait3A_1258 = arith.constant 0 : i32
      %dma_wait3A_1259 = arith.constant 0 : i32
      %dma_wait3A_1260 = tpu.memref_slice %arg5[%add3A, %dma_wait3A_1258, %dma_wait3A_1259] : memref<16x8x128xf32, #tpu.memory_space<hbm>> -> memref<1x8x128xf32, #tpu.memory_space<hbm>>
      %dma_wait3A_1261 = tpu.memref_squeeze %dma_wait3A_1260 : memref<1x8x128xf32, #tpu.memory_space<hbm>> -> memref<8x128xf32, #tpu.memory_space<hbm>>
      %dma_wait3A_1262 = arith.constant 0 : i32
      %dma_wait3A_1263 = arith.constant 0 : i32
      %dma_wait3A_1264 = tpu.memref_slice %arg5[%add3A, %dma_wait3A_1262, %dma_wait3A_1263] : memref<16x8x128xf32, #tpu.memory_space<hbm>> -> memref<1x8x128xf32, #tpu.memory_space<hbm>>
      %dma_wait3A_1265 = tpu.memref_squeeze %dma_wait3A_1264 : memref<1x8x128xf32, #tpu.memory_space<hbm>> -> memref<8x128xf32, #tpu.memory_space<hbm>>
      tpu.wait_dma2 semaphore(%run_scoped3A : memref<!tpu.dma_semaphore, #tpu.memory_space<semaphore_mem>>) src(%arg10 : memref<8x128xf32, #tpu.memory_space<vmem>>) dst(%dma_wait3A_1265 : memref<8x128xf32, #tpu.memory_space<hbm>>)
      tpu.yield
    }) : () -> ()
    return
  }
}

</mosaic_0001>

<sc_bundles>
// kernel: kernel.3.cloned.1.call-start
scs
__scs_entry_jumppad:
0x0: {  	(pc) =	sbr.rel $0x88, $3  }
0x1: {  	(tag) =	ssettag $0x0;
	lr =	simm.s32 $0x1  }
0x2: {  	[smem:$0x3F9E] =	sst lr;
	_ =	strace $0xD0000000  }
0x3: {  	_ = 	snop  }
0x4: {  	_ = 	snop  }
0x5: {  	_ = 	snop  }
0x6: {  	_ = 	snop  }
0x7: {  	_ = 	snop  }
__scs_overlays_trampoline_lowered:
0x8: {  	[smem:$0x3FAD] =	sst s0  }
0x9: {  	[smem:$0x3FAE] =	sst s1  }
0xa: {  	[smem:$0x3FAF] =	sst s2  }
0xb: {  	[smem:$0x3FB0] =	sst s3  }
0xc: {  	[smem:$0x3FB1] =	sst s4  }
0xd: {  	[smem:$0x3FB2] =	sst s5  }
0xe: {  	[smem:$0x3FB3] =	sst s6  }
0xf: {  	[smem:$0x3FB4] =	sst s7  }
0x10: {  	[smem:$0x3FB5] =	sst s8  }
0x11: {  	[smem:$0x3FB6] =	sst s9;
	s0 =	simm.s32 @!p0 $0x0  }
0x12: {  	s1 =	sld [smem:$0x3F9C];
	s0 =	simm.s32 @p0 $0x1  }
0x13: {  	[smem:$0x3FB7] =	sst s0;
	s0 =	simm.s32 @!p1 $0x0  }
0x14: {  	s2 =	sld [smem:$0x3F9B];
	s0 =	simm.s32 @p1 $0x1  }
0x15: {  	[smem:$0x3FB8] =	sst s0;
	s0 =	simm.s32 @!p2 $0x0  }
0x16: {  	s3 =	sld [smem:$0x3FDB];
	s0 =	simm.s32 @p2 $0x1  }
0x17: {  	s4 =	simm.s32 $0x1BF5;
	[smem:$0x3FBA] =	sst s0  }
0x18: {  	s0 =	sld [smem:$0x3F9D];
	_ =	swait.ge [sflag:s4], $0x0  }
0x19: {  	s7 =	sld [smem:$0x3F9E]  }
0x1a: {  	s8 =	sadd.s32 $0xFFFFE003, lr  }
0x1b: {  	s9 =	sadd.s32 $0xFFFFFEF7, lr;
	s5 =	simm.s32 $0xFFFFFFFF;
	p2 =	slt.u32 s8, $0xFFFFF086  }
0x1c: {  	p1 =	slt.u32 s9, $0xF7A;
	s5 =	simm.s32 @!p2 $0x0  }
0x1d: {  	s5 =	simm.s32 @p1 $0x1;
	p0 =	seq.s32 s7, s2  }
0x1e: {  	s7 =	smul.u32 @!p0 $0xF7A, s2;
	p2 =	seq.s32 @!p0 s5, $0x0  }
0x1f: {  	s9 =	smul.u32 $0xF7A, s1;
	s8 =	simm.s32 @!p0 $0x1BF5;
	p2 =	por !p2, p0  }
0x20: {  	[sflag:s8] =	ssyncset.s32 @!p0 $0xFFFFF086;
	s6 =	sadd.s32 @!p0 s3, s7;
	s7 =	simm.s32 @!p0 $0x108  }
0x21: {  	s3 =	sadd.s32 s3, s9;
	s6 =	sadd.s32 @!p0 $0x88, s6;
	s7 =	simm.s32 @p2 $0x1082  }
0x22: {  	[simem:s7], [sflag:s8] =	dma.local @!p0 [hbm:s6], $0xF7A  }
0x23: {  	s9 =	sor.u32 $0xD0000000, s2;
	s6 =	simm.s32 $0x108;
	_ =	swait.ge @!p0 [sflag:s8], $0x0  }
0x24: {  	s3 =	sadd.s32 $0x88, s3;
	s6 =	simm.s32 @!p1 $0x1082;
	[sflag:s4] =	ssyncset.s32 $0xFFFFF086  }
0x25: {  	[simem:s6], [sflag:s4] =	dma.local [hbm:s3], $0xF7A  }
0x26: {  	[smem:$0x3F9E] =	sst s1;
	(tag) =	ssettag s2;
	_ =	strace s9  }
0x27: {  	s1 =	sld [smem:$0x3FAE]  }
0x28: {  	s2 =	sld [smem:$0x3FAF]  }
0x29: {  	s4 =	sld [smem:$0x3FB1]  }
0x2a: {  	p0 =	seq.s32 s5, $0x0;
	s5 =	sld [smem:$0x3FB2]  }
0x2b: {  	s6 =	sld [smem:$0x3FB3]  }
0x2c: {  	s7 =	sld [smem:$0x3FB4]  }
0x2d: {  	s3 =	simm.s32 $0x108;
	s8 =	sld [smem:$0x3FB5]  }
0x2e: {  	s3 =	simm.s32 @!p0 $0x1082;
	s9 =	sld [smem:$0x3FB6]  }
0x2f: {  	lr =	sadd.s32 s0, s3;
	s0 =	sld [smem:$0x3FAD]  }
0x30: {  	s3 =	sld [smem:$0x3FB0]  }
0x31: {  	[smem:$0x3FB9] =	sst s10  }
0x32: {  	s10 =	sld [smem:$0x3FB7];
	_ =	sdelay $0x3  }
0x33: {  	p0 =	seq.s32 s10, $0x1;
	s10 =	sld [smem:$0x3FB9];
	_ =	sdelay $0x3  }
0x34: {  	[smem:$0x3FB9] =	sst s10  }
0x35: {  	s10 =	sld [smem:$0x3FB8];
	_ =	sdelay $0x3  }
0x36: {  	p1 =	seq.s32 s10, $0x1;
	s10 =	sld [smem:$0x3FB9];
	_ =	sdelay $0x3  }
0x37: {  	[smem:$0x3FB9] =	sst s10  }
0x38: {  	s10 =	sld [smem:$0x3FBA]  }
0x39: {  	_ = 	snop;
	(pc) =	sbr.ind lr, $3  }
0x3a: {  	_ = 	snop  }
0x3b: {  	_ = 	snop  }
0x3c: {  	p2 =	seq.s32 s10, $0x1;
	s10 =	sld [smem:$0x3FB9]  }
0x3d: {  	_ =	shalt  }
0x3e: {  	_ =	shalt  }
0x3f: {  	_ =	shalt  }
0x40: {  	_ =	shalt  }
0x41: {  	_ =	shalt  }
0x42: {  	_ =	shalt  }
0x43: {  	_ =	shalt  }
0x44: {  	_ =	shalt  }
0x45: {  	_ =	shalt  }
0x46: {  	_ =	shalt  }
0x47: {  	_ =	shalt  }
0x48: {  	_ =	shalt  }
0x49: {  	_ =	shalt  }
0x4a: {  	_ =	shalt  }
0x4b: {  	_ =	shalt  }
0x4c: {  	_ =	shalt  }
0x4d: {  	_ =	shalt  }
0x4e: {  	_ =	shalt  }
0x4f: {  	_ =	shalt  }
0x50: {  	_ =	shalt  }
0x51: {  	_ =	shalt  }
0x52: {  	_ =	shalt  }
0x53: {  	_ =	shalt  }
0x54: {  	_ =	shalt  }
0x55: {  	_ =	shalt  }
0x56: {  	_ =	shalt  }
0x57: {  	_ =	shalt  }
0x58: {  	_ =	shalt  }
0x59: {  	_ =	shalt  }
0x5a: {  	_ =	shalt  }
0x5b: {  	_ =	shalt  }
0x5c: {  	_ =	shalt  }
0x5d: {  	_ =	shalt  }
0x5e: {  	_ =	shalt  }
0x5f: {  	_ =	shalt  }
0x60: {  	_ =	shalt  }
0x61: {  	_ =	shalt  }
0x62: {  	_ =	shalt  }
0x63: {  	_ =	shalt  }
0x64: {  	_ =	shalt  }
0x65: {  	_ =	shalt  }
0x66: {  	_ =	shalt  }
0x67: {  	_ =	shalt  }
0x68: {  	_ =	shalt  }
0x69: {  	_ =	shalt  }
0x6a: {  	_ =	shalt  }
0x6b: {  	_ =	shalt  }
0x6c: {  	_ =	shalt  }
0x6d: {  	_ =	shalt  }
0x6e: {  	_ =	shalt  }
0x6f: {  	_ =	shalt  }
0x70: {  	_ =	shalt  }
0x71: {  	_ =	shalt  }
0x72: {  	_ =	shalt  }
0x73: {  	_ =	shalt  }
0x74: {  	_ =	shalt  }
0x75: {  	_ =	shalt  }
0x76: {  	_ =	shalt  }
0x77: {  	_ =	shalt  }
0x78: {  	_ =	shalt  }
0x79: {  	_ =	shalt  }
0x7a: {  	_ =	shalt  }
0x7b: {  	_ =	shalt  }
0x7c: {  	_ =	shalt  }
0x7d: {  	_ =	shalt  }
0x7e: {  	_ =	shalt  }
0x7f: {  	_ =	shalt  }
0x80: {  	_ =	shalt  }
0x81: {  	_ =	shalt  }
0x82: {  	_ =	shalt  }
0x83: {  	_ =	shalt  }
0x84: {  	_ =	shalt  }
0x85: {  	_ =	shalt  }
0x86: {  	_ =	shalt  }
0x87: {  	_ =	shalt  }
.Lfunc_end0:
.L_simem_size_0:
called_computation_lowered:
.L_overlay_start_0:
0x88: {  	s0 =	sld [smem:$0x3FD9]  }
0x89: {  	s1 =	sld [smem:$0x3FFE];
	_ =	sdelay $0x3  }
0x8a: {  	s0 =	sadd.s32 s1, s0  }
0x8b: {  	[smem:$0x3FC5] =	sst s0  }
0x8c: {  	_ = 	snop  }
0x8d: {  	s0 =	sld [smem:$0x3FC9]  }
0x8e: {  	s16 =	sld [smem:$0x3FD0];
	(tm) =	ssettm $0x1  }
0x8f: {  	s2 =	sld [smem:$0x3FFB];
	_ =	sdelay $0x3  }
0x90: {  	_ =	strace s2  }
0x91: {  	s2 =	sld [smem:$0x3FFC];
	_ =	sdelay $0x3  }
0x92: {  	_ =	strace s2  }
0x93: {  	s2 =	sld [smem:$0x3FFD];
	_ =	sdelay $0x3  }
0x94: {  	_ =	strace s2  }
0x95: {  	_ =	strace $0x8FFFFFFF  }
0x96: {  	s17 =	sld [smem:$0x3FDB];
	_ =	sdelay $0x1  }
0x97: {  	s3 =	simm.s32 $_scs_section_size  }
0x98: {  	s4 =	simm.s32 $_size__tile_overlayer_lowered;
	s5 =	simm.s32 $_tile_overlayer_lowered  }
0x99: {  	s20 =	simm.s32 $0x1BFF;
	s19 =	sshll.u32 s5, $0x1;
	s2 =	sadd.s32 s3, s17  }
0x9a: {  	s6 =	simm.s32 $0x0;
	s18 =	sshll.u32 s4, $0x1;
	s4 =	sadd.s32 s19, s2  }
0x9b: {  	[timem:s6], [sflag:s20] =	dma.local [hbm:s4], s18  }
0x9c: {  	_ =	swait.ge [sflag:s20], s18  }
0x9d: {  	s3 =	ssub.s32 $0x0, s18;
	[sflag:s20] =	ssyncset.done $0x0  }
0x9e: {  	[sflag:s20] =	ssyncadd.s32 s3;
	_ =	sdelay $0x1  }
0x9f: {  	s21 =	simm.s32 $0x1B8B  }
0xa0: {  	_ =	swait.ge [sflag:s21], $0x1  }
0xa1: {  	[sflag:s21] =	ssyncset.done $0x0  }
0xa2: {  	s23 =	simm.s32 $0x1B8E;
	s22 =	sld [smem:$0x3FFE];
	[sflag:s21] =	ssyncadd.s32 $0xFFFFFFFF  }
0xa3: {  	s24 =	simm.s32 $execute0_lowered;
	[smem:$0x3FD2] =	sst s23  }
0xa4: {  	s4 =	sshll.u32 s24, $0x1;
	_ =	strace $0x80000046;
	[dreg:$0x1] =	wrdreg $0xFFFFFFFF  }
0xa5: {  	s25 =	simm.s32 $_size_execute0_lowered;
	s2 =	sadd.s32 s2, s4;
	[dreg:$0x0] =	wrdreg $0x0  }
0xa6: {  	s4 =	sshll.u32 s25, $0x1;
	[dreg:$0x2] =	wrdreg s2  }
0xa7: {  	[dreg:$0x3] =	wrdreg s4  }
0xa8: {  	[dreg:$0x4] =	wrdreg $0xC0  }
0xa9: {  	_ =	task [dreg:s6], $0x5FFFF  }
0xaa: {  	[dreg:$0x1] =	wrdreg $0xFFFFFFFF  }
0xab: {  	[dreg:$0x0] =	wrdreg $0x60  }
0xac: {  	[dreg:$0x2] =	wrdreg s22  }
0xad: {  	[dreg:$0x3] =	wrdreg s0  }
0xae: {  	[dreg:$0x4] =	wrdreg s16  }
0xaf: {  	[dreg:$0x5] =	wrdreg $0x9  }
0xb0: {  	_ =	task.clear_ibuf [dreg:s6], $0x6FFFF;
	_ =	strace $0x90000046  }
0xb1: {  	s26 =	simm.s32 $0x9;
	_ =	strace $0x80000048  }
0xb2: {  	_ =	swait.ge [sflag:s26], $0x1  }
0xb3: {  	[sflag:s26] =	ssyncadd.s32 $0xFFFFFFFF  }
0xb4: {  	_ =	strace $0x90000048  }
0xb5: {  	_ =	sfence  }
0xb6: {  	s28 =	sld [smem:$0x0];
	_ =	sdelay $0x1  }
0xb7: {  	s29 =	srdreg.scid  }
0xb8: {  	s30 =	sshll.u32 s29, $0xD;
	s31 =	sshrl.u32 s29, $0x2  }
0xb9: {  	s1 =	sand.u32 $0x1, s29;
	s2 =	sand.u32 $0x4000, s30;
	s0 =	sadd.s32 s31, s28  }
0xba: {  	s1 =	sor.u32 s2, s1;
	s0 =	sshll.u32 s0, $0x11  }
0xbb: {  	s0 =	sor.u32 s0, s1  }
0xbc: {  	s0 =	sadd.s32 $0x8F2B, s0  }
0xbd: {  	[sflag:s0] =	ssyncadd.remote.s32 $0x1  }
0xbe: {  	_ =	sfence.sel $0xFFFF  }
0xbf: {  	[dreg:$0x0] =	wrdreg $0xFFFFFFFF;
	(pc) =	sbr.abs _section_cstart, $3  }
0xc0: {  	[dreg:$0x1] =	wrdreg $0xFFFFFFFF  }
0xc1: {  	_ =	task.clear_ibuf [dreg:s6], $0x2FFFF;
	_ =	strace $0x9FFFFFFF  }
0xc2: {  	(tm) =	ssettm $0x7FFFFFFF  }
0xc3: {  	_ =	shalt  }
tec
execute0_lowered:
.L_overlay_start_1:
0x0: {  	(tag) =	ssettag $0x1  }
0x1: {  	s6 =	rddreg [dreg:$0x0]  }
0x2: {  	s5 =	rddreg [dreg:$0x1]  }
0x3: {  	s3 =	rddreg [dreg:$0x2];
	s2 =	simm.s32 $0x0;
	s1 =	stileid.u32  }
0x4: {  	[smem:$0x7FF] =	sst s2;
	s4 =	sshll.u32 s1, $0x7  }
0x5: {  	s0 =	rddreg [dreg:$0x3];
	_ =	strace $0x80000047;
	s5 =	sadd.s32 s5, s4  }
0x6: {  	[tilespmem:s2], [sflag:$0x1] =	stream.linear.gather [hbm4b:s5+s2], $0x400, $0x38;
	[tilespmem:$0xD00] =	vst v63  }
0x7: {  	s7 =	simm.s32 $0x800;
	s26 =	sadd.s32 $0x1EA00, s6;
	s5 =	simm.s32 $0xB  }
0x8: {  	[tilespmem:s7], [sflag:$0xB] =	stream.linear.gather [hbm4b:s26+s2], $0x80, $0x38;
	[tilespmem:$0xD00] =	vst v63  }
0x9: {  	_ =	swait.ge [sflag:s5], $0x80  }
0xa: {  	s8 =	simm.s32 $0x10;
	[sflag:s5] =	ssyncset.done $0x0  }
0xb: {  	s9 =	simm.s32 $0x880;
	s28 =	simm.s32 $0x1;
	[sflag:s5] =	ssyncadd.s32 $0xFFFFFF80  }
0xc: {  	[tilespmem:s9], [sflag:$0xA] =	stream.indirect.gather [hbm4b:s6+s8], $0x1, s7, s8, $0xb8;
	[tilespmem:$0xD00] =	vst v63  }
0xd: {  	_ =	swait.ge [sflag:s28], $0x400  }
0xe: {  	[sflag:s28] =	ssyncset.done $0x0  }
0xf: {  	s29 =	simm.s32 $0x80;
	s30 =	simm.s32 $0x400;
	[sflag:s28] =	ssyncadd.s32 $0xFFFFFC00  }
0x10: {  	[tilespmem:s30], [sflag:$0x2] =	stream.indirect.gather [hbm4b:s6+s29], $0x1, s2, s29, $0xb8;
	[tilespmem:$0xD00] =	vst v63  }
0x11: {  	s31 =	simm.s32 $0x480  }
0x12: {  	[tilespmem:s31], [sflag:$0x3] =	stream.indirect.gather [hbm4b:s6+s29], $0x1, s29, s29, $0xb8;
	[tilespmem:$0xD00] =	vst v63  }
0x13: {  	s10 =	simm.s32 $0x500;
	s9 =	simm.s32 $0x100  }
0x14: {  	[tilespmem:s10], [sflag:$0x4] =	stream.indirect.gather [hbm4b:s6+s29], $0x1, s9, s29, $0xb8;
	[tilespmem:$0xD00] =	vst v63  }
0x15: {  	s11 =	simm.s32 $0x180;
	s12 =	simm.s32 $0x580  }
0x16: {  	[tilespmem:s12], [sflag:$0x5] =	stream.indirect.gather [hbm4b:s6+s29], $0x1, s11, s29, $0xb8;
	[tilespmem:$0xD00] =	vst v63  }
0x17: {  	s13 =	simm.s32 $0x200;
	s14 =	simm.s32 $0x600  }
0x18: {  	[tilespmem:s14], [sflag:$0x6] =	stream.indirect.gather [hbm4b:s6+s29], $0x1, s13, s29, $0xb8;
	[tilespmem:$0xD00] =	vst v63  }
0x19: {  	s15 =	simm.s32 $0x280;
	s16 =	simm.s32 $0x680  }
0x1a: {  	[tilespmem:s16], [sflag:$0x7] =	stream.indirect.gather [hbm4b:s6+s29], $0x1, s15, s29, $0xb8;
	[tilespmem:$0xD00] =	vst v63  }
0x1b: {  	s17 =	simm.s32 $0x300;
	s18 =	simm.s32 $0x700  }
0x1c: {  	[tilespmem:s18], [sflag:$0x8] =	stream.indirect.gather [hbm4b:s6+s29], $0x1, s17, s29, $0xb8;
	[tilespmem:$0xD00] =	vst v63  }
0x1d: {  	s19 =	simm.s32 $0x380;
	s20 =	simm.s32 $0x780;
	s21 =	simm.s32 $0xA  }
0x1e: {  	[tilespmem:s20], [sflag:$0x9] =	stream.indirect.gather [hbm4b:s6+s29], $0x1, s19, s29, $0xb8;
	[tilespmem:$0xD00] =	vst v63  }
0x1f: {  	_ =	swait.ge [sflag:s21], $0x10  }
0x20: {  	[sflag:s21] =	ssyncset.done $0x0  }
0x21: {  	s22 =	simm.s32 $0x2;
	[sflag:s21] =	ssyncadd.s32 $0xFFFFFFF0  }
0x22: {  	v0 =	vld [tilespmem:$0x880];
	_ =	swait.ge [sflag:s22], $0x80  }
0x23: {  	[sflag:s22] =	ssyncset.done $0x0  }
0x24: {  	[sflag:s22] =	ssyncadd.s32 $0xFFFFFF80  }
0x25: {  	v1 =	vld [tilespmem:$0x400]  }
0x26: {  	v2 =	vld [tilespmem:$0x410]  }
0x27: {  	v3 =	vld [tilespmem:$0x420]  }
0x28: {  	v4 =	vld [tilespmem:$0x430]  }
0x29: {  	v5 =	vld [tilespmem:$0x440]  }
0x2a: {  	v6 =	vld [tilespmem:$0x450];
	_ =	sdelay $0x1  }
0x2b: {  	v1 =	vsub.f32 v1, v0  }
0x2c: {  	v7 =	vld [tilespmem:$0x460];
	v2 =	vsub.f32 v2, v0;
	v3 =	vsub.f32 v3, v0  }
0x2d: {  	v8 =	vld [tilespmem:$0x470];
	v4 =	vsub.f32 v4, v0;
	v36 =	vsub.f32 v5, v0  }
0x2e: {  	v38 =	vsub.f32 v6, v0;
	v1 =	vmul.f32 $6.931471820e-01, v1;
	v2 =	vmul.f32 $6.931471820e-01, v2  }
0x2f: {  	v3 =	vmul.f32 $6.931471820e-01, v3;
	v4 =	vmul.f32 $6.931471820e-01, v4  }
0x30: {  	v39 =	vmul.f32 $6.931471820e-01, v36;
	v41 =	vmul.f32 $6.931471820e-01, v38  }
0x31: {  	v40 =	vsub.f32 v7, v0;
	v1 =	vmul.f32 $1.442695020e+00, v1;
	v2 =	vmul.f32 $1.442695020e+00, v2  }
0x32: {  	v42 =	vsub.f32 v8, v0;
	v35 =	vmul.f32 $1.442695020e+00, v3;
	v37 =	vmul.f32 $1.442695020e+00, v4  }
0x33: {  	v3 =	vmul.f32 $6.931471820e-01, v40;
	(erf) = vpow2.f32 v1  }
0x34: {  	v4 =	vmul.f32 $6.931471820e-01, v42;
	(erf) = vpow2.f32 v2  }
0x35: {  	v1 =	vmul.f32 $1.442695020e+00, v39;
	(erf) = vpow2.f32 v35  }
0x36: {  	v2 =	vmul.f32 $1.442695020e+00, v41;
	(erf) = vpow2.f32 v37  }
0x37: {  	v43 =	vmul.f32 $1.442695020e+00, v3;
	(erf) = vpow2.f32 v1  }
0x38: {  	v44 =	vmul.f32 $1.442695020e+00, v4;
	(erf) = vpow2.f32 v2  }
0x39: {  	(erf) = vpow2.f32 v43  }
0x3a: {  	(erf) = vpow2.f32 v44;
	_ =	sdelay $0x1  }
0x3b: {  	v45 =	vpop (erf)  }
0x3c: {  	[tilespmem:$0x900] =	vst v45;
	v46 =	vpop (erf)  }
0x3d: {  	[tilespmem:$0x910] =	vst v46;
	v47 =	vpop (erf)  }
0x3e: {  	[tilespmem:$0x920] =	vst v47;
	v48 =	vpop (erf)  }
0x3f: {  	[tilespmem:$0x930] =	vst v48;
	v49 =	vpop (erf)  }
0x40: {  	[tilespmem:$0x940] =	vst v49;
	v50 =	vpop (erf)  }
0x41: {  	[tilespmem:$0x950] =	vst v50;
	v51 =	vpop (erf)  }
0x42: {  	[tilespmem:$0x960] =	vst v51;
	v52 =	vpop (erf)  }
0x43: {  	s23 =	simm.s32 $0x3;
	[tilespmem:$0x970] =	vst v52  }
0x44: {  	_ =	swait.ge [sflag:s23], $0x80  }
0x45: {  	[sflag:s23] =	ssyncset.done $0x0  }
0x46: {  	[sflag:s23] =	ssyncadd.s32 $0xFFFFFF80  }
0x47: {  	v53 =	vld [tilespmem:$0x480]  }
0x48: {  	v54 =	vld [tilespmem:$0x490]  }
0x49: {  	v55 =	vld [tilespmem:$0x4A0]  }
0x4a: {  	v56 =	vld [tilespmem:$0x4B0]  }
0x4b: {  	v57 =	vld [tilespmem:$0x4C0]  }
0x4c: {  	v58 =	vld [tilespmem:$0x4D0];
	_ =	sdelay $0x1  }
0x4d: {  	v1 =	vsub.f32 v53, v0  }
0x4e: {  	v59 =	vld [tilespmem:$0x4E0];
	v2 =	vsub.f32 v54, v0;
	v3 =	vsub.f32 v55, v0  }
0x4f: {  	v60 =	vld [tilespmem:$0x4F0];
	v4 =	vsub.f32 v56, v0;
	v62 =	vsub.f32 v57, v0  }
0x50: {  	v9 =	vsub.f32 v58, v0;
	v1 =	vmul.f32 $6.931471820e-01, v1;
	v2 =	vmul.f32 $6.931471820e-01, v2  }
0x51: {  	v3 =	vmul.f32 $6.931471820e-01, v3;
	v4 =	vmul.f32 $6.931471820e-01, v4  }
0x52: {  	v10 =	vmul.f32 $6.931471820e-01, v62;
	v12 =	vmul.f32 $6.931471820e-01, v9  }
0x53: {  	v11 =	vsub.f32 v59, v0;
	v1 =	vmul.f32 $1.442695020e+00, v1;
	v2 =	vmul.f32 $1.442695020e+00, v2  }
0x54: {  	v13 =	vsub.f32 v60, v0;
	v61 =	vmul.f32 $1.442695020e+00, v3;
	v63 =	vmul.f32 $1.442695020e+00, v4  }
0x55: {  	v3 =	vmul.f32 $6.931471820e-01, v11;
	(erf) = vpow2.f32 v1  }
0x56: {  	v4 =	vmul.f32 $6.931471820e-01, v13;
	(erf) = vpow2.f32 v2  }
0x57: {  	v1 =	vmul.f32 $1.442695020e+00, v10;
	(erf) = vpow2.f32 v61  }
0x58: {  	v2 =	vmul.f32 $1.442695020e+00, v12;
	(erf) = vpow2.f32 v63  }
0x59: {  	v14 =	vmul.f32 $1.442695020e+00, v3;
	(erf) = vpow2.f32 v1  }
0x5a: {  	v15 =	vmul.f32 $1.442695020e+00, v4;
	(erf) = vpow2.f32 v2  }
0x5b: {  	(erf) = vpow2.f32 v14  }
0x5c: {  	(erf) = vpow2.f32 v15;
	_ =	sdelay $0x1  }
0x5d: {  	v16 =	vpop (erf)  }
0x5e: {  	[tilespmem:$0x980] =	vst v16;
	v17 =	vpop (erf)  }
0x5f: {  	[tilespmem:$0x990] =	vst v17;
	v18 =	vpop (erf)  }
0x60: {  	[tilespmem:$0x9A0] =	vst v18;
	v19 =	vpop (erf)  }
0x61: {  	[tilespmem:$0x9B0] =	vst v19;
	v20 =	vpop (erf)  }
0x62: {  	[tilespmem:$0x9C0] =	vst v20;
	v21 =	vpop (erf)  }
0x63: {  	[tilespmem:$0x9D0] =	vst v21;
	v22 =	vpop (erf)  }
0x64: {  	[tilespmem:$0x9E0] =	vst v22;
	v23 =	vpop (erf)  }
0x65: {  	s24 =	simm.s32 $0x4;
	[tilespmem:$0x9F0] =	vst v23  }
0x66: {  	_ =	swait.ge [sflag:s24], $0x80  }
0x67: {  	[sflag:s24] =	ssyncset.done $0x0  }
0x68: {  	[sflag:s24] =	ssyncadd.s32 $0xFFFFFF80  }
0x69: {  	v24 =	vld [tilespmem:$0x500]  }
0x6a: {  	v25 =	vld [tilespmem:$0x510]  }
0x6b: {  	v26 =	vld [tilespmem:$0x520]  }
0x6c: {  	v27 =	vld [tilespmem:$0x530]  }
0x6d: {  	v28 =	vld [tilespmem:$0x540]  }
0x6e: {  	v29 =	vld [tilespmem:$0x550];
	_ =	sdelay $0x1  }
0x6f: {  	v1 =	vsub.f32 v24, v0  }
0x70: {  	v30 =	vld [tilespmem:$0x560];
	v2 =	vsub.f32 v25, v0;
	v3 =	vsub.f32 v26, v0  }
0x71: {  	v31 =	vld [tilespmem:$0x570];
	v4 =	vsub.f32 v27, v0;
	v33 =	vsub.f32 v28, v0  }
0x72: {  	v35 =	vsub.f32 v29, v0;
	v1 =	vmul.f32 $6.931471820e-01, v1;
	v2 =	vmul.f32 $6.931471820e-01, v2  }
0x73: {  	v3 =	vmul.f32 $6.931471820e-01, v3;
	v4 =	vmul.f32 $6.931471820e-01, v4  }
0x74: {  	v36 =	vmul.f32 $6.931471820e-01, v33;
	v38 =	vmul.f32 $6.931471820e-01, v35  }
0x75: {  	v37 =	vsub.f32 v30, v0;
	v1 =	vmul.f32 $1.442695020e+00, v1;
	v2 =	vmul.f32 $1.442695020e+00, v2  }
0x76: {  	v39 =	vsub.f32 v31, v0;
	v32 =	vmul.f32 $1.442695020e+00, v3;
	v34 =	vmul.f32 $1.442695020e+00, v4  }
0x77: {  	v3 =	vmul.f32 $6.931471820e-01, v37;
	(erf) = vpow2.f32 v1  }
0x78: {  	v4 =	vmul.f32 $6.931471820e-01, v39;
	(erf) = vpow2.f32 v2  }
0x79: {  	v1 =	vmul.f32 $1.442695020e+00, v36;
	(erf) = vpow2.f32 v32  }
0x7a: {  	v2 =	vmul.f32 $1.442695020e+00, v38;
	(erf) = vpow2.f32 v34  }
0x7b: {  	v40 =	vmul.f32 $1.442695020e+00, v3;
	(erf) = vpow2.f32 v1  }
0x7c: {  	v41 =	vmul.f32 $1.442695020e+00, v4;
	(erf) = vpow2.f32 v2  }
0x7d: {  	(erf) = vpow2.f32 v40  }
0x7e: {  	(erf) = vpow2.f32 v41;
	_ =	sdelay $0x1  }
0x7f: {  	v42 =	vpop (erf)  }
0x80: {  	[tilespmem:$0xA00] =	vst v42;
	v43 =	vpop (erf)  }
0x81: {  	[tilespmem:$0xA10] =	vst v43;
	v44 =	vpop (erf)  }
0x82: {  	[tilespmem:$0xA20] =	vst v44;
	v45 =	vpop (erf)  }
0x83: {  	[tilespmem:$0xA30] =	vst v45;
	v46 =	vpop (erf)  }
0x84: {  	[tilespmem:$0xA40] =	vst v46;
	v47 =	vpop (erf)  }
0x85: {  	[tilespmem:$0xA50] =	vst v47;
	v48 =	vpop (erf)  }
0x86: {  	[tilespmem:$0xA60] =	vst v48;
	v49 =	vpop (erf)  }
0x87: {  	s25 =	simm.s32 $0x5;
	[tilespmem:$0xA70] =	vst v49  }
0x88: {  	_ =	swait.ge [sflag:s25], $0x80  }
0x89: {  	[sflag:s25] =	ssyncset.done $0x0  }
0x8a: {  	[sflag:s25] =	ssyncadd.s32 $0xFFFFFF80  }
0x8b: {  	v50 =	vld [tilespmem:$0x580]  }
0x8c: {  	v51 =	vld [tilespmem:$0x590]  }
0x8d: {  	v52 =	vld [tilespmem:$0x5A0]  }
0x8e: {  	v53 =	vld [tilespmem:$0x5B0]  }
0x8f: {  	v54 =	vld [tilespmem:$0x5C0]  }
0x90: {  	v55 =	vld [tilespmem:$0x5D0];
	_ =	sdelay $0x1  }
0x91: {  	v1 =	vsub.f32 v50, v0  }
0x92: {  	v56 =	vld [tilespmem:$0x5E0];
	v2 =	vsub.f32 v51, v0;
	v3 =	vsub.f32 v52, v0  }
0x93: {  	v57 =	vld [tilespmem:$0x5F0];
	v4 =	vsub.f32 v53, v0;
	v59 =	vsub.f32 v54, v0  }
0x94: {  	v61 =	vsub.f32 v55, v0;
	v1 =	vmul.f32 $6.931471820e-01, v1;
	v2 =	vmul.f32 $6.931471820e-01, v2  }
0x95: {  	v3 =	vmul.f32 $6.931471820e-01, v3;
	v4 =	vmul.f32 $6.931471820e-01, v4  }
0x96: {  	v62 =	vmul.f32 $6.931471820e-01, v59;
	v9 =	vmul.f32 $6.931471820e-01, v61  }
0x97: {  	v63 =	vsub.f32 v56, v0;
	v1 =	vmul.f32 $1.442695020e+00, v1;
	v2 =	vmul.f32 $1.442695020e+00, v2  }
0x98: {  	v10 =	vsub.f32 v57, v0;
	v58 =	vmul.f32 $1.442695020e+00, v3;
	v60 =	vmul.f32 $1.442695020e+00, v4  }
0x99: {  	v3 =	vmul.f32 $6.931471820e-01, v63;
	(erf) = vpow2.f32 v1  }
0x9a: {  	v4 =	vmul.f32 $6.931471820e-01, v10;
	(erf) = vpow2.f32 v2  }
0x9b: {  	v1 =	vmul.f32 $1.442695020e+00, v62;
	(erf) = vpow2.f32 v58  }
0x9c: {  	v2 =	vmul.f32 $1.442695020e+00, v9;
	(erf) = vpow2.f32 v60  }
0x9d: {  	v11 =	vmul.f32 $1.442695020e+00, v3;
	(erf) = vpow2.f32 v1  }
0x9e: {  	v12 =	vmul.f32 $1.442695020e+00, v4;
	(erf) = vpow2.f32 v2  }
0x9f: {  	(erf) = vpow2.f32 v11  }
0xa0: {  	(erf) = vpow2.f32 v12;
	_ =	sdelay $0x1  }
0xa1: {  	v13 =	vpop (erf)  }
0xa2: {  	[tilespmem:$0xA80] =	vst v13;
	v14 =	vpop (erf)  }
0xa3: {  	[tilespmem:$0xA90] =	vst v14;
	v15 =	vpop (erf)  }
0xa4: {  	[tilespmem:$0xAA0] =	vst v15;
	v16 =	vpop (erf)  }
0xa5: {  	[tilespmem:$0xAB0] =	vst v16;
	v17 =	vpop (erf)  }
0xa6: {  	[tilespmem:$0xAC0] =	vst v17;
	v18 =	vpop (erf)  }
0xa7: {  	[tilespmem:$0xAD0] =	vst v18;
	v19 =	vpop (erf)  }
0xa8: {  	[tilespmem:$0xAE0] =	vst v19;
	v20 =	vpop (erf)  }
0xa9: {  	s26 =	simm.s32 $0x6;
	[tilespmem:$0xAF0] =	vst v20  }
0xaa: {  	_ =	swait.ge [sflag:s26], $0x80  }
0xab: {  	[sflag:s26] =	ssyncset.done $0x0  }
0xac: {  	[sflag:s26] =	ssyncadd.s32 $0xFFFFFF80  }
0xad: {  	v21 =	vld [tilespmem:$0x600]  }
0xae: {  	v22 =	vld [tilespmem:$0x610]  }
0xaf: {  	v23 =	vld [tilespmem:$0x620]  }
0xb0: {  	v24 =	vld [tilespmem:$0x630]  }
0xb1: {  	v25 =	vld [tilespmem:$0x640]  }
0xb2: {  	v26 =	vld [tilespmem:$0x650];
	_ =	sdelay $0x1  }
0xb3: {  	v1 =	vsub.f32 v21, v0  }
0xb4: {  	v27 =	vld [tilespmem:$0x660];
	v2 =	vsub.f32 v22, v0;
	v3 =	vsub.f32 v23, v0  }
0xb5: {  	v28 =	vld [tilespmem:$0x670];
	v4 =	vsub.f32 v24, v0;
	v30 =	vsub.f32 v25, v0  }
0xb6: {  	v32 =	vsub.f32 v26, v0;
	v1 =	vmul.f32 $6.931471820e-01, v1;
	v2 =	vmul.f32 $6.931471820e-01, v2  }
0xb7: {  	v3 =	vmul.f32 $6.931471820e-01, v3;
	v4 =	vmul.f32 $6.931471820e-01, v4  }
0xb8: {  	v33 =	vmul.f32 $6.931471820e-01, v30;
	v35 =	vmul.f32 $6.931471820e-01, v32  }
0xb9: {  	v34 =	vsub.f32 v27, v0;
	v1 =	vmul.f32 $1.442695020e+00, v1;
	v2 =	vmul.f32 $1.442695020e+00, v2  }
0xba: {  	v36 =	vsub.f32 v28, v0;
	v29 =	vmul.f32 $1.442695020e+00, v3;
	v31 =	vmul.f32 $1.442695020e+00, v4  }
0xbb: {  	v3 =	vmul.f32 $6.931471820e-01, v34;
	(erf) = vpow2.f32 v1  }
0xbc: {  	v4 =	vmul.f32 $6.931471820e-01, v36;
	(erf) = vpow2.f32 v2  }
0xbd: {  	v1 =	vmul.f32 $1.442695020e+00, v33;
	(erf) = vpow2.f32 v29  }
0xbe: {  	v2 =	vmul.f32 $1.442695020e+00, v35;
	(erf) = vpow2.f32 v31  }
0xbf: {  	v37 =	vmul.f32 $1.442695020e+00, v3;
	(erf) = vpow2.f32 v1  }
0xc0: {  	v38 =	vmul.f32 $1.442695020e+00, v4;
	(erf) = vpow2.f32 v2  }
0xc1: {  	(erf) = vpow2.f32 v37  }
0xc2: {  	(erf) = vpow2.f32 v38;
	_ =	sdelay $0x1  }
0xc3: {  	v39 =	vpop (erf)  }
0xc4: {  	[tilespmem:$0xB00] =	vst v39;
	v40 =	vpop (erf)  }
0xc5: {  	[tilespmem:$0xB10] =	vst v40;
	v41 =	vpop (erf)  }
0xc6: {  	[tilespmem:$0xB20] =	vst v41;
	v42 =	vpop (erf)  }
0xc7: {  	[tilespmem:$0xB30] =	vst v42;
	v43 =	vpop (erf)  }
0xc8: {  	[tilespmem:$0xB40] =	vst v43;
	v44 =	vpop (erf)  }
0xc9: {  	[tilespmem:$0xB50] =	vst v44;
	v45 =	vpop (erf)  }
0xca: {  	[tilespmem:$0xB60] =	vst v45;
	v46 =	vpop (erf)  }
0xcb: {  	s28 =	simm.s32 $0x7;
	[tilespmem:$0xB70] =	vst v46  }
0xcc: {  	_ =	swait.ge [sflag:s28], $0x80  }
0xcd: {  	[sflag:s28] =	ssyncset.done $0x0  }
0xce: {  	[sflag:s28] =	ssyncadd.s32 $0xFFFFFF80  }
0xcf: {  	v47 =	vld [tilespmem:$0x680]  }
0xd0: {  	v48 =	vld [tilespmem:$0x690]  }
0xd1: {  	v49 =	vld [tilespmem:$0x6A0]  }
0xd2: {  	v50 =	vld [tilespmem:$0x6B0]  }
0xd3: {  	v51 =	vld [tilespmem:$0x6C0]  }
0xd4: {  	v52 =	vld [tilespmem:$0x6D0];
	_ =	sdelay $0x1  }
0xd5: {  	v1 =	vsub.f32 v47, v0  }
0xd6: {  	v53 =	vld [tilespmem:$0x6E0];
	v2 =	vsub.f32 v48, v0;
	v3 =	vsub.f32 v49, v0  }
0xd7: {  	v54 =	vld [tilespmem:$0x6F0];
	v4 =	vsub.f32 v50, v0;
	v56 =	vsub.f32 v51, v0  }
0xd8: {  	v58 =	vsub.f32 v52, v0;
	v1 =	vmul.f32 $6.931471820e-01, v1;
	v2 =	vmul.f32 $6.931471820e-01, v2  }
0xd9: {  	v3 =	vmul.f32 $6.931471820e-01, v3;
	v4 =	vmul.f32 $6.931471820e-01, v4  }
0xda: {  	v59 =	vmul.f32 $6.931471820e-01, v56;
	v61 =	vmul.f32 $6.931471820e-01, v58  }
0xdb: {  	v60 =	vsub.f32 v53, v0;
	v1 =	vmul.f32 $1.442695020e+00, v1;
	v2 =	vmul.f32 $1.442695020e+00, v2  }
0xdc: {  	v62 =	vsub.f32 v54, v0;
	v55 =	vmul.f32 $1.442695020e+00, v3;
	v57 =	vmul.f32 $1.442695020e+00, v4  }
0xdd: {  	v3 =	vmul.f32 $6.931471820e-01, v60;
	(erf) = vpow2.f32 v1  }
0xde: {  	v4 =	vmul.f32 $6.931471820e-01, v62;
	(erf) = vpow2.f32 v2  }
0xdf: {  	v1 =	vmul.f32 $1.442695020e+00, v59;
	(erf) = vpow2.f32 v55  }
0xe0: {  	v2 =	vmul.f32 $1.442695020e+00, v61;
	(erf) = vpow2.f32 v57  }
0xe1: {  	v63 =	vmul.f32 $1.442695020e+00, v3;
	(erf) = vpow2.f32 v1  }
0xe2: {  	v5 =	vmul.f32 $1.442695020e+00, v4;
	(erf) = vpow2.f32 v2  }
0xe3: {  	(erf) = vpow2.f32 v63  }
0xe4: {  	(erf) = vpow2.f32 v5;
	_ =	sdelay $0x1  }
0xe5: {  	v6 =	vpop (erf)  }
0xe6: {  	[tilespmem:$0xB80] =	vst v6;
	v7 =	vpop (erf)  }
0xe7: {  	[tilespmem:$0xB90] =	vst v7;
	v8 =	vpop (erf)  }
0xe8: {  	[tilespmem:$0xBA0] =	vst v8;
	v9 =	vpop (erf)  }
0xe9: {  	[tilespmem:$0xBB0] =	vst v9;
	v10 =	vpop (erf)  }
0xea: {  	[tilespmem:$0xBC0] =	vst v10;
	v11 =	vpop (erf)  }
0xeb: {  	[tilespmem:$0xBD0] =	vst v11;
	v12 =	vpop (erf)  }
0xec: {  	[tilespmem:$0xBE0] =	vst v12;
	v13 =	vpop (erf)  }
0xed: {  	s29 =	simm.s32 $0x8;
	[tilespmem:$0xBF0] =	vst v13  }
0xee: {  	_ =	swait.ge [sflag:s29], $0x80  }
0xef: {  	[sflag:s29] =	ssyncset.done $0x0  }
0xf0: {  	[sflag:s29] =	ssyncadd.s32 $0xFFFFFF80  }
0xf1: {  	v14 =	vld [tilespmem:$0x700]  }
0xf2: {  	v15 =	vld [tilespmem:$0x710]  }
0xf3: {  	v16 =	vld [tilespmem:$0x720]  }
0xf4: {  	v17 =	vld [tilespmem:$0x730]  }
0xf5: {  	v18 =	vld [tilespmem:$0x740]  }
0xf6: {  	v19 =	vld [tilespmem:$0x750];
	_ =	sdelay $0x1  }
0xf7: {  	v1 =	vsub.f32 v14, v0  }
0xf8: {  	v20 =	vld [tilespmem:$0x760];
	v2 =	vsub.f32 v15, v0;
	v3 =	vsub.f32 v16, v0  }
0xf9: {  	v21 =	vld [tilespmem:$0x770];
	v4 =	vsub.f32 v17, v0;
	v23 =	vsub.f32 v18, v0  }
0xfa: {  	v25 =	vsub.f32 v19, v0;
	v1 =	vmul.f32 $6.931471820e-01, v1;
	v2 =	vmul.f32 $6.931471820e-01, v2  }
0xfb: {  	v3 =	vmul.f32 $6.931471820e-01, v3;
	v4 =	vmul.f32 $6.931471820e-01, v4  }
0xfc: {  	v26 =	vmul.f32 $6.931471820e-01, v23;
	v28 =	vmul.f32 $6.931471820e-01, v25  }
0xfd: {  	v27 =	vsub.f32 v20, v0;
	v1 =	vmul.f32 $1.442695020e+00, v1;
	v2 =	vmul.f32 $1.442695020e+00, v2  }
0xfe: {  	v29 =	vsub.f32 v21, v0;
	v22 =	vmul.f32 $1.442695020e+00, v3;
	v24 =	vmul.f32 $1.442695020e+00, v4  }
0xff: {  	v3 =	vmul.f32 $6.931471820e-01, v27;
	(erf) = vpow2.f32 v1  }
0x100: {  	v4 =	vmul.f32 $6.931471820e-01, v29;
	(erf) = vpow2.f32 v2  }
0x101: {  	v1 =	vmul.f32 $1.442695020e+00, v26;
	(erf) = vpow2.f32 v22  }
0x102: {  	v2 =	vmul.f32 $1.442695020e+00, v28;
	(erf) = vpow2.f32 v24  }
0x103: {  	v30 =	vmul.f32 $1.442695020e+00, v3;
	(erf) = vpow2.f32 v1  }
0x104: {  	v31 =	vmul.f32 $1.442695020e+00, v4;
	(erf) = vpow2.f32 v2  }
0x105: {  	(erf) = vpow2.f32 v30  }
0x106: {  	(erf) = vpow2.f32 v31;
	_ =	sdelay $0x1  }
0x107: {  	v32 =	vpop (erf)  }
0x108: {  	[tilespmem:$0xC00] =	vst v32;
	v33 =	vpop (erf)  }
0x109: {  	[tilespmem:$0xC10] =	vst v33;
	v34 =	vpop (erf)  }
0x10a: {  	[tilespmem:$0xC20] =	vst v34;
	v35 =	vpop (erf)  }
0x10b: {  	[tilespmem:$0xC30] =	vst v35;
	v36 =	vpop (erf)  }
0x10c: {  	[tilespmem:$0xC40] =	vst v36;
	v37 =	vpop (erf)  }
0x10d: {  	[tilespmem:$0xC50] =	vst v37;
	v38 =	vpop (erf)  }
0x10e: {  	[tilespmem:$0xC60] =	vst v38;
	v39 =	vpop (erf)  }
0x10f: {  	s30 =	simm.s32 $0x9;
	[tilespmem:$0xC70] =	vst v39  }
0x110: {  	_ =	swait.ge [sflag:s30], $0x80  }
0x111: {  	[sflag:s30] =	ssyncset.done $0x0  }
0x112: {  	[sflag:s30] =	ssyncadd.s32 $0xFFFFFF80  }
0x113: {  	v40 =	vld [tilespmem:$0x780]  }
0x114: {  	v41 =	vld [tilespmem:$0x790]  }
0x115: {  	v42 =	vld [tilespmem:$0x7A0]  }
0x116: {  	v43 =	vld [tilespmem:$0x7B0]  }
0x117: {  	v44 =	vld [tilespmem:$0x7C0]  }
0x118: {  	v45 =	vld [tilespmem:$0x7D0]  }
0x119: {  	v46 =	vld [tilespmem:$0x7E0]  }
0x11a: {  	v47 =	vld [tilespmem:$0x7F0]  }
0x11b: {  	v1 =	vsub.f32 v40, v0;
	v2 =	vsub.f32 v41, v0  }
0x11c: {  	v3 =	vsub.f32 v42, v0;
	v4 =	vsub.f32 v43, v0  }
0x11d: {  	v49 =	vsub.f32 v44, v0;
	v51 =	vsub.f32 v45, v0  }
0x11e: {  	v53 =	vsub.f32 v46, v0;
	v1 =	vmul.f32 $6.931471820e-01, v1;
	v2 =	vmul.f32 $6.931471820e-01, v2  }
0x11f: {  	v0 =	vsub.f32 v47, v0;
	v3 =	vmul.f32 $6.931471820e-01, v3;
	v4 =	vmul.f32 $6.931471820e-01, v4  }
0x120: {  	v52 =	vmul.f32 $6.931471820e-01, v49;
	v54 =	vmul.f32 $6.931471820e-01, v51  }
0x121: {  	v0 =	vmul.f32 $6.931471820e-01, v0;
	v1 =	vmul.f32 $1.442695020e+00, v1  }
0x122: {  	v2 =	vmul.f32 $1.442695020e+00, v2;
	v48 =	vmul.f32 $1.442695020e+00, v3  }
0x123: {  	v50 =	vmul.f32 $1.442695020e+00, v4;
	(erf) = vpow2.f32 v1  }
0x124: {  	v3 =	vmul.f32 $6.931471820e-01, v53;
	(erf) = vpow2.f32 v2  }
0x125: {  	v1 =	vmul.f32 $1.442695020e+00, v52;
	(erf) = vpow2.f32 v48  }
0x126: {  	v2 =	vmul.f32 $1.442695020e+00, v54;
	(erf) = vpow2.f32 v50  }
0x127: {  	v55 =	vmul.f32 $1.442695020e+00, v3;
	(erf) = vpow2.f32 v1  }
0x128: {  	v0 =	vmul.f32 $1.442695020e+00, v0;
	(erf) = vpow2.f32 v2  }
0x129: {  	(erf) = vpow2.f32 v55  }
0x12a: {  	(erf) = vpow2.f32 v0;
	_ =	sdelay $0x1  }
0x12b: {  	v56 =	vpop (erf)  }
0x12c: {  	v57 =	vpop (erf);
	[tilespmem:$0xC80] =	vst v56  }
0x12d: {  	v58 =	vpop (erf);
	[tilespmem:$0xC90] =	vst v57  }
0x12e: {  	v59 =	vpop (erf);
	[tilespmem:$0xCA0] =	vst v58  }
0x12f: {  	v60 =	vpop (erf);
	[tilespmem:$0xCB0] =	vst v59  }
0x130: {  	v61 =	vpop (erf);
	[tilespmem:$0xCC0] =	vst v60  }
0x131: {  	v62 =	vpop (erf);
	[tilespmem:$0xCD0] =	vst v61  }
0x132: {  	[tilespmem:$0xCE0] =	vst v62;
	v63 =	vpop (erf)  }
0x133: {  	s3 =	sadd.s32 s3, s4;
	s31 =	simm.s32 $0x900;
	[tilespmem:$0xCF0] =	vst v63  }
0x134: {  	[hbm4b:s3+s2] =	stream.linear.scatter [tilespmem:s31], [sflag:$0xB], $0x400, $0x38;
	[tilespmem:$0xD00] =	vst v63  }
0x135: {  	_ =	swait.ge [sflag:s5], $0x400  }
0x136: {  	[sflag:s5] =	ssyncset.done $0x0  }
0x137: {  	[sflag:s5] =	ssyncadd.s32 $0xFFFFFC00  }
0x138: {  	_ =	sfence.sel $0x180000  }
0x139: {  	[bflag:$0x0] =	sbarrier.arrive $0xFFFF  }
0x13a: {  	p0 =	sne.s32 s1, $0x0;
	_ =	strace $0x90000047  }
0x13b: {  	s0 =	sadd.s32 @!p0 $0x100000, s0;
	[bflag:$0x2] =	sbarrier.arrive $0xFFFF  }
0x13c: {  	[sflag:s0] =	ssyncadd.tile.s32 @!p0 $0x1;
	_ =	shalt  }
.Lfunc_end2:
_tile_overlayer_lowered:
.L_overlay_start_2:
0x13d: {  	(tag) =	ssettag $0x2  }
0x13e: {  	s0 =	rddreg [dreg:$0x0];
	s2 =	stileid.u32  }
0x13f: {  	s1 =	rddreg [dreg:$0x1];
	p0 =	sne.s32 s2, $0x0  }
0x140: {  	s3 =	rddreg [dreg:$0x2];
	[bflag:$0x3] =	sbarrier.arrive $0xFFFF;
	s2 =	simm.s32 @!p0 $0x1C0B  }
0x141: {  	[timem:s3], [sflag:s2] =	dma.local @!p0 [hbm:s0], s1  }
0x142: {  	s0 =	simm.s32 @!p0 $0xB  }
0x143: {  	_ =	swait.ge @!p0 [sflag:s0], s1  }
0x144: {  	s1 =	ssub.s32 @!p0 $0x0, s1;
	[sflag:s0] =	ssyncset.done @!p0 $0x0  }
0x145: {  	[sflag:s0] =	ssyncadd.s32 @!p0 s1  }
0x146: {  	[bflag:$0x3] =	sbarrier.arrive $0xFFFF  }
0x147: {  	_ =	shalt  }

</sc_bundles>
